<compile_context>
chip_gen: v7x
topology: tpu7x:2x2x1
jax: 0.10.2.dev20260603
libtpu: 0.0.44.dev20260713+nightly
codegen_flags: <defaults>
</compile_context>

<pallas_src>
import functools

import jax
import jax.numpy as jnp
from jax import lax
from jax.experimental import pallas as pl
from jax.experimental.pallas import tpu as pltpu
from jax.experimental.pallas import tpu_sc as plsc

_TOPK = 8
_NE = 64
_NT = 8192
_D = 4096
_NC = 2
_NS = 16
_NW = _NC * _NS
_L = 16
_TPW = _NT // _NW
_GROUPS = _TPW // _L
_QSCALE = float(2 ** 23)


def _pack_body(w_ref, x_ref, ko_ref):
    logits = lax.dot_general(
        w_ref[:], x_ref[:], (((1,), (1,)), ((), ())),
        preferred_element_type=jnp.float32)
    q = (jnp.clip(logits, -3.96875, 3.96875) * _QSCALE).astype(jnp.int32)
    eidx = lax.broadcasted_iota(jnp.int32, q.shape, 0)
    ikey = jnp.left_shift(q, 6) | (jnp.int32(63) - eidx)
    packed = lax.bitcast_convert_type(
        jnp.where(ikey >= 0, ikey, ikey ^ jnp.int32(0x7FFFFFFF)),
        jnp.float32)
    for s in range(_MBT // _TPW):
        ko_ref[s] = packed[:, s * _TPW:(s + 1) * _TPW]


_MBT = 512
_SPB = _MBT // _TPW


def _compute_keys(x, W):
    return pl.pallas_call(
        _pack_body,
        grid=(_NT // _MBT,),
        in_specs=[
            pl.BlockSpec((_NE, _D), lambda i: (0, 0)),
            pl.BlockSpec((_MBT, _D), lambda i: (i, 0)),
        ],
        out_specs=pl.BlockSpec(
            (_SPB, _NE, _TPW), lambda i: (i, 0, 0)),
        out_shape=jax.ShapeDtypeStruct((_NW, _NE, _TPW), jnp.float32),
    )(W, x)


def _make_topk():
    mesh = plsc.VectorSubcoreMesh(core_axis_name="c", subcore_axis_name="s")

    @functools.partial(
        pl.kernel, mesh=mesh,
        out_type=jax.ShapeDtypeStruct((_NW, _TOPK, _TPW), jnp.float32),
        scratch_types=[
            pltpu.VMEM((_NE, _TPW), jnp.float32),
            pltpu.VMEM((_TOPK, _TPW), jnp.float32),
        ],
    )
    def topk_kernel(k_hbm, s_hbm, kv, sv):
        wid = lax.axis_index("s") * _NC + lax.axis_index("c")
        pltpu.sync_copy(k_hbm.at[wid], kv)

        def group_body(g, carry):
            base = g * _L
            b = [jnp.full((_L,), -jnp.inf, jnp.float32)] * _TOPK
            for e in range(_NE):
                key = kv[e, pl.ds(base, _L)]
                nb = [jnp.maximum(b[0], key)]
                for i in range(1, _TOPK):
                    nb.append(jnp.maximum(b[i], jnp.minimum(key, b[i - 1])))
                b = nb
            for k in range(_TOPK):
                sv[k, pl.ds(base, _L)] = b[k]
            return carry

        lax.fori_loop(0, _GROUPS, group_body, 0)
        pltpu.sync_copy(sv, s_hbm.at[wid])

    return topk_kernel


_topk = _make_topk()


def _unpack_body(s_ref, w_ref, i_ref):
    u = lax.bitcast_convert_type(s_ref[:], jnp.int32)
    u = jnp.where(u >= 0, u, u ^ jnp.int32(0x7FFFFFFF))
    i_ref[:] = jnp.int32(63) - (u & jnp.int32(63))
    va = jnp.right_shift(u, 6).astype(jnp.float32) * (1.0 / _QSCALE)
    ex = jnp.exp(va - va[:, 0:1, :])
    w_ref[:] = ex / jnp.sum(ex, axis=1, keepdims=True)


def _unpack_softmax(s):
    return pl.pallas_call(
        _unpack_body,
        grid=(1,),
        in_specs=[pl.BlockSpec((_NW, _TOPK, _TPW), lambda i: (0, 0, 0))],
        out_specs=[
            pl.BlockSpec((_NW, _TOPK, _TPW), lambda i: (0, 0, 0)),
            pl.BlockSpec((_NW, _TOPK, _TPW), lambda i: (0, 0, 0)),
        ],
        out_shape=[
            jax.ShapeDtypeStruct((_NW, _TOPK, _TPW), jnp.float32),
            jax.ShapeDtypeStruct((_NW, _TOPK, _TPW), jnp.int32),
        ],
    )(s)


def kernel(x, W):
    keys = _compute_keys(x, W)
    sel = _topk(keys)
    w_t, i_t = _unpack_softmax(sel)
    weights = w_t.transpose(0, 2, 1).reshape(_NT, _TOPK)
    indices = i_t.transpose(0, 2, 1).reshape(_NT, _TOPK)
    return (weights, indices)

# --- scband reference (transcript-rebuilt; emitter-appended) ---
"""Pipeline reference for scband-top-krouter-11914239279740 (READ-ONLY COPY).

The authoritative reference and input builder live on the scoring server;
editing this copy changes nothing except your own understanding.
"""

import jax, jax.numpy as jnp
import numpy as np

TOP_K = 8
N_EMBD = 4096
N_EXPERTS = 64
TOKENS = 8192

def setup_inputs(seed: int = 0) -> dict:
    key = jax.random.key(seed)
    kx, kw = jax.random.split(key)
    x = jax.random.normal(kx, (TOKENS, N_EMBD), dtype=jnp.float32)
    # nn.Linear(n_embd, n_experts, bias=False) weight has shape [n_experts, n_embd]
    bound = 1.0 / np.sqrt(N_EMBD)
    W = jax.random.uniform(kw, (N_EXPERTS, N_EMBD), dtype=jnp.float32, minval=-bound, maxval=bound)
    return {"x": x, "W": W}

def reference(x, W):
    # routing_logits = self.routing_weights(x)  -> x @ W.T
    routing_logits = x @ W.T
    routing_probs = jax.nn.softmax(routing_logits, axis=-1)
    topk_weights, topk_indices = jax.lax.top_k(routing_probs, TOP_K)
    topk_weights = topk_weights / jnp.sum(topk_weights, axis=-1, keepdims=True)
    return (topk_weights, topk_indices)

if __name__ == "__main__":
    import jax
    _d = setup_inputs()
    print(jax.jit(kernel)(*tuple(_d.values())))

</pallas_src>

<mosaic_0001>
#map = affine_map<(d0, d1) -> (0, 0, 0)>
module attributes {stable_mosaic.version = 14 : i64} {
  func.func @topk_kernel(%arg0: i32, %arg1: i32, %arg2: memref<32x64x256xf32, #tpu.memory_space<hbm>>, %arg3: memref<32x8x256xf32, #tpu.memory_space<hbm>>, %arg4: memref<64x256xf32, #tpu.memory_space<vmem>>, %arg5: memref<8x256xf32, #tpu.memory_space<vmem>>) attributes {dimension_semantics = [#tpu.dimension_semantics<core_parallel>, #tpu.dimension_semantics<subcore_parallel>], iteration_bounds = array<i64: 2, 16>, scalar_prefetch = 0 : i64, scratch_operands = 2 : i64, tpu.core_type = #tpu.core_type<sc_vector_subcore>, window_params = [{transform_indices = #map}, {transform_indices = #map}]} {
    %mul3A = arith.constant 2 : i32
    %mul3A_0 = arith.muli %arg1, %mul3A : i32
    %add3A = arith.addi %mul3A_0, %arg0 : i32
    "tpu.region"() ({
      %run_scoped3A = tpu.sem_alloc : memref<!tpu.dma_semaphore, #tpu.memory_space<semaphore_mem>>
      %dma_start3A = arith.constant 0 : i32
      %dma_start3A_6 = arith.constant 0 : i32
      %dma_start3A_7 = tpu.memref_slice %arg2[%add3A, %dma_start3A, %dma_start3A_6] : memref<32x64x256xf32, #tpu.memory_space<hbm>> -> memref<1x64x256xf32, #tpu.memory_space<hbm>>
      %dma_start3A_8 = tpu.memref_squeeze %dma_start3A_7 : memref<1x64x256xf32, #tpu.memory_space<hbm>> -> memref<64x256xf32, #tpu.memory_space<hbm>>
      %dma_start3A_9 = arith.constant 0 : i32
      %dma_start3A_10 = arith.constant 0 : i32
      %dma_start3A_11 = tpu.memref_slice %arg2[%add3A, %dma_start3A_9, %dma_start3A_10] : memref<32x64x256xf32, #tpu.memory_space<hbm>> -> memref<1x64x256xf32, #tpu.memory_space<hbm>>
      %dma_start3A_12 = tpu.memref_squeeze %dma_start3A_11 : memref<1x64x256xf32, #tpu.memory_space<hbm>> -> memref<64x256xf32, #tpu.memory_space<hbm>>
      tpu.enqueue_dma source(%dma_start3A_12 : memref<64x256xf32, #tpu.memory_space<hbm>>) target(%arg4 : memref<64x256xf32, #tpu.memory_space<vmem>>) target_semaphore(%run_scoped3A : memref<!tpu.dma_semaphore, #tpu.memory_space<semaphore_mem>>)
      %dma_wait3A = arith.constant 0 : i32
      %dma_wait3A_13 = arith.constant 0 : i32
      %dma_wait3A_14 = tpu.memref_slice %arg2[%add3A, %dma_wait3A, %dma_wait3A_13] : memref<32x64x256xf32, #tpu.memory_space<hbm>> -> memref<1x64x256xf32, #tpu.memory_space<hbm>>
      %dma_wait3A_15 = tpu.memref_squeeze %dma_wait3A_14 : memref<1x64x256xf32, #tpu.memory_space<hbm>> -> memref<64x256xf32, #tpu.memory_space<hbm>>
      %dma_wait3A_16 = arith.constant 0 : i32
      %dma_wait3A_17 = arith.constant 0 : i32
      %dma_wait3A_18 = tpu.memref_slice %arg2[%add3A, %dma_wait3A_16, %dma_wait3A_17] : memref<32x64x256xf32, #tpu.memory_space<hbm>> -> memref<1x64x256xf32, #tpu.memory_space<hbm>>
      %dma_wait3A_19 = tpu.memref_squeeze %dma_wait3A_18 : memref<1x64x256xf32, #tpu.memory_space<hbm>> -> memref<64x256xf32, #tpu.memory_space<hbm>>
      tpu.wait_dma2 semaphore(%run_scoped3A : memref<!tpu.dma_semaphore, #tpu.memory_space<semaphore_mem>>) src(%dma_wait3A_19 : memref<64x256xf32, #tpu.memory_space<hbm>>) dst(%arg4 : memref<64x256xf32, #tpu.memory_space<vmem>>)
      tpu.yield
    }) : () -> ()
    %scan3A = arith.constant 0 : i32
    %scan3A_1 = arith.constant 0 : i32
    %scan3A_2 = arith.constant 16 : i32
    %scan3A_3 = arith.addi %scan3A_1, %scan3A_2 : i32
    %scan3A_4 = arith.constant 1 : i32
    scf.for %scan3A_6 = %scan3A_1 to %scan3A_3 step %scan3A_4  : i32 {
      %mul3A_7 = arith.constant 16 : i32
      %mul3A_8 = arith.muli %scan3A_6, %mul3A_7 : i32
      %broadcast_in_dim3A = arith.constant 0xFF800000 : f32
      %broadcast_in_dim3A_9 = vector.broadcast %broadcast_in_dim3A : f32 to vector<16xf32>
      %get3A = arith.constant 0 : i32
      %get3A_10 = arith.index_cast %get3A : i32 to index
      %get3A_11 = arith.index_cast %mul3A_8 : i32 to index
      %get3A_12 = tpu.vector_load %arg4[%get3A_10, %get3A_11] {strides = array<i32>} : memref<64x256xf32, #tpu.memory_space<vmem>>, vector<1x16xf32>,
      %get3A_13 = vector.shape_cast %get3A_12 : vector<1x16xf32> to vector<16xf32>
      %max3A = arith.maximumf %broadcast_in_dim3A_9, %get3A_13 : vector<16xf32>
      %min3A = arith.minimumf %get3A_13, %broadcast_in_dim3A_9 : vector<16xf32>
      %max3A_14 = arith.maximumf %broadcast_in_dim3A_9, %min3A : vector<16xf32>
      %min3A_15 = arith.minimumf %get3A_13, %broadcast_in_dim3A_9 : vector<16xf32>
      %max3A_16 = arith.maximumf %broadcast_in_dim3A_9, %min3A_15 : vector<16xf32>
      %min3A_17 = arith.minimumf %get3A_13, %broadcast_in_dim3A_9 : vector<16xf32>
      %max3A_18 = arith.maximumf %broadcast_in_dim3A_9, %min3A_17 : vector<16xf32>
      %min3A_19 = arith.minimumf %get3A_13, %broadcast_in_dim3A_9 : vector<16xf32>
      %max3A_20 = arith.maximumf %broadcast_in_dim3A_9, %min3A_19 : vector<16xf32>
      %min3A_21 = arith.minimumf %get3A_13, %broadcast_in_dim3A_9 : vector<16xf32>
      %max3A_22 = arith.maximumf %broadcast_in_dim3A_9, %min3A_21 : vector<16xf32>
      %min3A_23 = arith.minimumf %get3A_13, %broadcast_in_dim3A_9 : vector<16xf32>
      %max3A_24 = arith.maximumf %broadcast_in_dim3A_9, %min3A_23 : vector<16xf32>
      %min3A_25 = arith.minimumf %get3A_13, %broadcast_in_dim3A_9 : vector<16xf32>
      %max3A_26 = arith.maximumf %broadcast_in_dim3A_9, %min3A_25 : vector<16xf32>
      %get3A_27 = arith.constant 1 : i32
      %get3A_28 = arith.index_cast %get3A_27 : i32 to index
      %get3A_29 = arith.index_cast %mul3A_8 : i32 to index
      %get3A_30 = tpu.vector_load %arg4[%get3A_28, %get3A_29] {strides = array<i32>} : memref<64x256xf32, #tpu.memory_space<vmem>>, vector<1x16xf32>,
      %get3A_31 = vector.shape_cast %get3A_30 : vector<1x16xf32> to vector<16xf32>
      %max3A_32 = arith.maximumf %max3A, %get3A_31 : vector<16xf32>
      %min3A_33 = arith.minimumf %get3A_31, %max3A : vector<16xf32>
      %max3A_34 = arith.maximumf %max3A_14, %min3A_33 : vector<16xf32>
      %min3A_35 = arith.minimumf %get3A_31, %max3A_14 : vector<16xf32>
      %max3A_36 = arith.maximumf %max3A_16, %min3A_35 : vector<16xf32>
      %min3A_37 = arith.minimumf %get3A_31, %max3A_16 : vector<16xf32>
      %max3A_38 = arith.maximumf %max3A_18, %min3A_37 : vector<16xf32>
      %min3A_39 = arith.minimumf %get3A_31, %max3A_18 : vector<16xf32>
      %max3A_40 = arith.maximumf %max3A_20, %min3A_39 : vector<16xf32>
      %min3A_41 = arith.minimumf %get3A_31, %max3A_20 : vector<16xf32>
      %max3A_42 = arith.maximumf %max3A_22, %min3A_41 : vector<16xf32>
      %min3A_43 = arith.minimumf %get3A_31, %max3A_22 : vector<16xf32>
      %max3A_44 = arith.maximumf %max3A_24, %min3A_43 : vector<16xf32>
      %min3A_45 = arith.minimumf %get3A_31, %max3A_24 : vector<16xf32>
      %max3A_46 = arith.maximumf %max3A_26, %min3A_45 : vector<16xf32>
      %get3A_47 = arith.constant 2 : i32
      %get3A_48 = arith.index_cast %get3A_47 : i32 to index
      %get3A_49 = arith.index_cast %mul3A_8 : i32 to index
      %get3A_50 = tpu.vector_load %arg4[%get3A_48, %get3A_49] {strides = array<i32>} : memref<64x256xf32, #tpu.memory_space<vmem>>, vector<1x16xf32>,
      %get3A_51 = vector.shape_cast %get3A_50 : vector<1x16xf32> to vector<16xf32>
      %max3A_52 = arith.maximumf %max3A_32, %get3A_51 : vector<16xf32>
      %min3A_53 = arith.minimumf %get3A_51, %max3A_32 : vector<16xf32>
      %max3A_54 = arith.maximumf %max3A_34, %min3A_53 : vector<16xf32>
      %min3A_55 = arith.minimumf %get3A_51, %max3A_34 : vector<16xf32>
      %max3A_56 = arith.maximumf %max3A_36, %min3A_55 : vector<16xf32>
      %min3A_57 = arith.minimumf %get3A_51, %max3A_36 : vector<16xf32>
      %max3A_58 = arith.maximumf %max3A_38, %min3A_57 : vector<16xf32>
      %min3A_59 = arith.minimumf %get3A_51, %max3A_38 : vector<16xf32>
      %max3A_60 = arith.maximumf %max3A_40, %min3A_59 : vector<16xf32>
      %min3A_61 = arith.minimumf %get3A_51, %max3A_40 : vector<16xf32>
      %max3A_62 = arith.maximumf %max3A_42, %min3A_61 : vector<16xf32>
      %min3A_63 = arith.minimumf %get3A_51, %max3A_42 : vector<16xf32>
      %max3A_64 = arith.maximumf %max3A_44, %min3A_63 : vector<16xf32>
      %min3A_65 = arith.minimumf %get3A_51, %max3A_44 : vector<16xf32>
      %max3A_66 = arith.maximumf %max3A_46, %min3A_65 : vector<16xf32>
      %get3A_67 = arith.constant 3 : i32
      %get3A_68 = arith.index_cast %get3A_67 : i32 to index
      %get3A_69 = arith.index_cast %mul3A_8 : i32 to index
      %get3A_70 = tpu.vector_load %arg4[%get3A_68, %get3A_69] {strides = array<i32>} : memref<64x256xf32, #tpu.memory_space<vmem>>, vector<1x16xf32>,
      %get3A_71 = vector.shape_cast %get3A_70 : vector<1x16xf32> to vector<16xf32>
      %max3A_72 = arith.maximumf %max3A_52, %get3A_71 : vector<16xf32>
      %min3A_73 = arith.minimumf %get3A_71, %max3A_52 : vector<16xf32>
      %max3A_74 = arith.maximumf %max3A_54, %min3A_73 : vector<16xf32>
      %min3A_75 = arith.minimumf %get3A_71, %max3A_54 : vector<16xf32>
      %max3A_76 = arith.maximumf %max3A_56, %min3A_75 : vector<16xf32>
      %min3A_77 = arith.minimumf %get3A_71, %max3A_56 : vector<16xf32>
      %max3A_78 = arith.maximumf %max3A_58, %min3A_77 : vector<16xf32>
      %min3A_79 = arith.minimumf %get3A_71, %max3A_58 : vector<16xf32>
      %max3A_80 = arith.maximumf %max3A_60, %min3A_79 : vector<16xf32>
      %min3A_81 = arith.minimumf %get3A_71, %max3A_60 : vector<16xf32>
      %max3A_82 = arith.maximumf %max3A_62, %min3A_81 : vector<16xf32>
      %min3A_83 = arith.minimumf %get3A_71, %max3A_62 : vector<16xf32>
      %max3A_84 = arith.maximumf %max3A_64, %min3A_83 : vector<16xf32>
      %min3A_85 = arith.minimumf %get3A_71, %max3A_64 : vector<16xf32>
      %max3A_86 = arith.maximumf %max3A_66, %min3A_85 : vector<16xf32>
      %get3A_87 = arith.constant 4 : i32
      %get3A_88 = arith.index_cast %get3A_87 : i32 to index
      %get3A_89 = arith.index_cast %mul3A_8 : i32 to index
      %get3A_90 = tpu.vector_load %arg4[%get3A_88, %get3A_89] {strides = array<i32>} : memref<64x256xf32, #tpu.memory_space<vmem>>, vector<1x16xf32>,
      %get3A_91 = vector.shape_cast %get3A_90 : vector<1x16xf32> to vector<16xf32>
      %max3A_92 = arith.maximumf %max3A_72, %get3A_91 : vector<16xf32>
      %min3A_93 = arith.minimumf %get3A_91, %max3A_72 : vector<16xf32>
      %max3A_94 = arith.maximumf %max3A_74, %min3A_93 : vector<16xf32>
      %min3A_95 = arith.minimumf %get3A_91, %max3A_74 : vector<16xf32>
      %max3A_96 = arith.maximumf %max3A_76, %min3A_95 : vector<16xf32>
      %min3A_97 = arith.minimumf %get3A_91, %max3A_76 : vector<16xf32>
      %max3A_98 = arith.maximumf %max3A_78, %min3A_97 : vector<16xf32>
      %min3A_99 = arith.minimumf %get3A_91, %max3A_78 : vector<16xf32>
      %max3A_100 = arith.maximumf %max3A_80, %min3A_99 : vector<16xf32>
      %min3A_101 = arith.minimumf %get3A_91, %max3A_80 : vector<16xf32>
      %max3A_102 = arith.maximumf %max3A_82, %min3A_101 : vector<16xf32>
      %min3A_103 = arith.minimumf %get3A_91, %max3A_82 : vector<16xf32>
      %max3A_104 = arith.maximumf %max3A_84, %min3A_103 : vector<16xf32>
      %min3A_105 = arith.minimumf %get3A_91, %max3A_84 : vector<16xf32>
      %max3A_106 = arith.maximumf %max3A_86, %min3A_105 : vector<16xf32>
      %get3A_107 = arith.constant 5 : i32
      %get3A_108 = arith.index_cast %get3A_107 : i32 to index
      %get3A_109 = arith.index_cast %mul3A_8 : i32 to index
      %get3A_110 = tpu.vector_load %arg4[%get3A_108, %get3A_109] {strides = array<i32>} : memref<64x256xf32, #tpu.memory_space<vmem>>, vector<1x16xf32>,
      %get3A_111 = vector.shape_cast %get3A_110 : vector<1x16xf32> to vector<16xf32>
      %max3A_112 = arith.maximumf %max3A_92, %get3A_111 : vector<16xf32>
      %min3A_113 = arith.minimumf %get3A_111, %max3A_92 : vector<16xf32>
      %max3A_114 = arith.maximumf %max3A_94, %min3A_113 : vector<16xf32>
      %min3A_115 = arith.minimumf %get3A_111, %max3A_94 : vector<16xf32>
      %max3A_116 = arith.maximumf %max3A_96, %min3A_115 : vector<16xf32>
      %min3A_117 = arith.minimumf %get3A_111, %max3A_96 : vector<16xf32>
      %max3A_118 = arith.maximumf %max3A_98, %min3A_117 : vector<16xf32>
      %min3A_119 = arith.minimumf %get3A_111, %max3A_98 : vector<16xf32>
      %max3A_120 = arith.maximumf %max3A_100, %min3A_119 : vector<16xf32>
      %min3A_121 = arith.minimumf %get3A_111, %max3A_100 : vector<16xf32>
      %max3A_122 = arith.maximumf %max3A_102, %min3A_121 : vector<16xf32>
      %min3A_123 = arith.minimumf %get3A_111, %max3A_102 : vector<16xf32>
      %max3A_124 = arith.maximumf %max3A_104, %min3A_123 : vector<16xf32>
      %min3A_125 = arith.minimumf %get3A_111, %max3A_104 : vector<16xf32>
      %max3A_126 = arith.maximumf %max3A_106, %min3A_125 : vector<16xf32>
      %get3A_127 = arith.constant 6 : i32
      %get3A_128 = arith.index_cast %get3A_127 : i32 to index
      %get3A_129 = arith.index_cast %mul3A_8 : i32 to index
      %get3A_130 = tpu.vector_load %arg4[%get3A_128, %get3A_129] {strides = array<i32>} : memref<64x256xf32, #tpu.memory_space<vmem>>, vector<1x16xf32>,
      %get3A_131 = vector.shape_cast %get3A_130 : vector<1x16xf32> to vector<16xf32>
      %max3A_132 = arith.maximumf %max3A_112, %get3A_131 : vector<16xf32>
      %min3A_133 = arith.minimumf %get3A_131, %max3A_112 : vector<16xf32>
      %max3A_134 = arith.maximumf %max3A_114, %min3A_133 : vector<16xf32>
      %min3A_135 = arith.minimumf %get3A_131, %max3A_114 : vector<16xf32>
      %max3A_136 = arith.maximumf %max3A_116, %min3A_135 : vector<16xf32>
      %min3A_137 = arith.minimumf %get3A_131, %max3A_116 : vector<16xf32>
      %max3A_138 = arith.maximumf %max3A_118, %min3A_137 : vector<16xf32>
      %min3A_139 = arith.minimumf %get3A_131, %max3A_118 : vector<16xf32>
      %max3A_140 = arith.maximumf %max3A_120, %min3A_139 : vector<16xf32>
      %min3A_141 = arith.minimumf %get3A_131, %max3A_120 : vector<16xf32>
      %max3A_142 = arith.maximumf %max3A_122, %min3A_141 : vector<16xf32>
      %min3A_143 = arith.minimumf %get3A_131, %max3A_122 : vector<16xf32>
      %max3A_144 = arith.maximumf %max3A_124, %min3A_143 : vector<16xf32>
      %min3A_145 = arith.minimumf %get3A_131, %max3A_124 : vector<16xf32>
      %max3A_146 = arith.maximumf %max3A_126, %min3A_145 : vector<16xf32>
      %get3A_147 = arith.constant 7 : i32
      %get3A_148 = arith.index_cast %get3A_147 : i32 to index
      %get3A_149 = arith.index_cast %mul3A_8 : i32 to index
      %get3A_150 = tpu.vector_load %arg4[%get3A_148, %get3A_149] {strides = array<i32>} : memref<64x256xf32, #tpu.memory_space<vmem>>, vector<1x16xf32>,
      %get3A_151 = vector.shape_cast %get3A_150 : vector<1x16xf32> to vector<16xf32>
      %max3A_152 = arith.maximumf %max3A_132, %get3A_151 : vector<16xf32>
      %min3A_153 = arith.minimumf %get3A_151, %max3A_132 : vector<16xf32>
      %max3A_154 = arith.maximumf %max3A_134, %min3A_153 : vector<16xf32>
      %min3A_155 = arith.minimumf %get3A_151, %max3A_134 : vector<16xf32>
      %max3A_156 = arith.maximumf %max3A_136, %min3A_155 : vector<16xf32>
      %min3A_157 = arith.minimumf %get3A_151, %max3A_136 : vector<16xf32>
      %max3A_158 = arith.maximumf %max3A_138, %min3A_157 : vector<16xf32>
      %min3A_159 = arith.minimumf %get3A_151, %max3A_138 : vector<16xf32>
      %max3A_160 = arith.maximumf %max3A_140, %min3A_159 : vector<16xf32>
      %min3A_161 = arith.minimumf %get3A_151, %max3A_140 : vector<16xf32>
      %max3A_162 = arith.maximumf %max3A_142, %min3A_161 : vector<16xf32>
      %min3A_163 = arith.minimumf %get3A_151, %max3A_142 : vector<16xf32>
      %max3A_164 = arith.maximumf %max3A_144, %min3A_163 : vector<16xf32>
      %min3A_165 = arith.minimumf %get3A_151, %max3A_144 : vector<16xf32>
      %max3A_166 = arith.maximumf %max3A_146, %min3A_165 : vector<16xf32>
      %get3A_167 = arith.constant 8 : i32
      %get3A_168 = arith.index_cast %get3A_167 : i32 to index
      %get3A_169 = arith.index_cast %mul3A_8 : i32 to index
      %get3A_170 = tpu.vector_load %arg4[%get3A_168, %get3A_169] {strides = array<i32>} : memref<64x256xf32, #tpu.memory_space<vmem>>, vector<1x16xf32>,
      %get3A_171 = vector.shape_cast %get3A_170 : vector<1x16xf32> to vector<16xf32>
      %max3A_172 = arith.maximumf %max3A_152, %get3A_171 : vector<16xf32>
      %min3A_173 = arith.minimumf %get3A_171, %max3A_152 : vector<16xf32>
      %max3A_174 = arith.maximumf %max3A_154, %min3A_173 : vector<16xf32>
      %min3A_175 = arith.minimumf %get3A_171, %max3A_154 : vector<16xf32>
      %max3A_176 = arith.maximumf %max3A_156, %min3A_175 : vector<16xf32>
      %min3A_177 = arith.minimumf %get3A_171, %max3A_156 : vector<16xf32>
      %max3A_178 = arith.maximumf %max3A_158, %min3A_177 : vector<16xf32>
      %min3A_179 = arith.minimumf %get3A_171, %max3A_158 : vector<16xf32>
      %max3A_180 = arith.maximumf %max3A_160, %min3A_179 : vector<16xf32>
      %min3A_181 = arith.minimumf %get3A_171, %max3A_160 : vector<16xf32>
      %max3A_182 = arith.maximumf %max3A_162, %min3A_181 : vector<16xf32>
      %min3A_183 = arith.minimumf %get3A_171, %max3A_162 : vector<16xf32>
      %max3A_184 = arith.maximumf %max3A_164, %min3A_183 : vector<16xf32>
      %min3A_185 = arith.minimumf %get3A_171, %max3A_164 : vector<16xf32>
      %max3A_186 = arith.maximumf %max3A_166, %min3A_185 : vector<16xf32>
      %get3A_187 = arith.constant 9 : i32
      %get3A_188 = arith.index_cast %get3A_187 : i32 to index
      %get3A_189 = arith.index_cast %mul3A_8 : i32 to index
      %get3A_190 = tpu.vector_load %arg4[%get3A_188, %get3A_189] {strides = array<i32>} : memref<64x256xf32, #tpu.memory_space<vmem>>, vector<1x16xf32>,
      %get3A_191 = vector.shape_cast %get3A_190 : vector<1x16xf32> to vector<16xf32>
      %max3A_192 = arith.maximumf %max3A_172, %get3A_191 : vector<16xf32>
      %min3A_193 = arith.minimumf %get3A_191, %max3A_172 : vector<16xf32>
      %max3A_194 = arith.maximumf %max3A_174, %min3A_193 : vector<16xf32>
      %min3A_195 = arith.minimumf %get3A_191, %max3A_174 : vector<16xf32>
      %max3A_196 = arith.maximumf %max3A_176, %min3A_195 : vector<16xf32>
      %min3A_197 = arith.minimumf %get3A_191, %max3A_176 : vector<16xf32>
      %max3A_198 = arith.maximumf %max3A_178, %min3A_197 : vector<16xf32>
      %min3A_199 = arith.minimumf %get3A_191, %max3A_178 : vector<16xf32>
      %max3A_200 = arith.maximumf %max3A_180, %min3A_199 : vector<16xf32>
      %min3A_201 = arith.minimumf %get3A_191, %max3A_180 : vector<16xf32>
      %max3A_202 = arith.maximumf %max3A_182, %min3A_201 : vector<16xf32>
      %min3A_203 = arith.minimumf %get3A_191, %max3A_182 : vector<16xf32>
      %max3A_204 = arith.maximumf %max3A_184, %min3A_203 : vector<16xf32>
      %min3A_205 = arith.minimumf %get3A_191, %max3A_184 : vector<16xf32>
      %max3A_206 = arith.maximumf %max3A_186, %min3A_205 : vector<16xf32>
      %get3A_207 = arith.constant 10 : i32
      %get3A_208 = arith.index_cast %get3A_207 : i32 to index
      %get3A_209 = arith.index_cast %mul3A_8 : i32 to index
      %get3A_210 = tpu.vector_load %arg4[%get3A_208, %get3A_209] {strides = array<i32>} : memref<64x256xf32, #tpu.memory_space<vmem>>, vector<1x16xf32>,
      %get3A_211 = vector.shape_cast %get3A_210 : vector<1x16xf32> to vector<16xf32>
      %max3A_212 = arith.maximumf %max3A_192, %get3A_211 : vector<16xf32>
      %min3A_213 = arith.minimumf %get3A_211, %max3A_192 : vector<16xf32>
      %max3A_214 = arith.maximumf %max3A_194, %min3A_213 : vector<16xf32>
      %min3A_215 = arith.minimumf %get3A_211, %max3A_194 : vector<16xf32>
      %max3A_216 = arith.maximumf %max3A_196, %min3A_215 : vector<16xf32>
      %min3A_217 = arith.minimumf %get3A_211, %max3A_196 : vector<16xf32>
      %max3A_218 = arith.maximumf %max3A_198, %min3A_217 : vector<16xf32>
      %min3A_219 = arith.minimumf %get3A_211, %max3A_198 : vector<16xf32>
      %max3A_220 = arith.maximumf %max3A_200, %min3A_219 : vector<16xf32>
      %min3A_221 = arith.minimumf %get3A_211, %max3A_200 : vector<16xf32>
      %max3A_222 = arith.maximumf %max3A_202, %min3A_221 : vector<16xf32>
      %min3A_223 = arith.minimumf %get3A_211, %max3A_202 : vector<16xf32>
      %max3A_224 = arith.maximumf %max3A_204, %min3A_223 : vector<16xf32>
      %min3A_225 = arith.minimumf %get3A_211, %max3A_204 : vector<16xf32>
      %max3A_226 = arith.maximumf %max3A_206, %min3A_225 : vector<16xf32>
      %get3A_227 = arith.constant 11 : i32
      %get3A_228 = arith.index_cast %get3A_227 : i32 to index
      %get3A_229 = arith.index_cast %mul3A_8 : i32 to index
      %get3A_230 = tpu.vector_load %arg4[%get3A_228, %get3A_229] {strides = array<i32>} : memref<64x256xf32, #tpu.memory_space<vmem>>, vector<1x16xf32>,
      %get3A_231 = vector.shape_cast %get3A_230 : vector<1x16xf32> to vector<16xf32>
      %max3A_232 = arith.maximumf %max3A_212, %get3A_231 : vector<16xf32>
      %min3A_233 = arith.minimumf %get3A_231, %max3A_212 : vector<16xf32>
      %max3A_234 = arith.maximumf %max3A_214, %min3A_233 : vector<16xf32>
      %min3A_235 = arith.minimumf %get3A_231, %max3A_214 : vector<16xf32>
      %max3A_236 = arith.maximumf %max3A_216, %min3A_235 : vector<16xf32>
      %min3A_237 = arith.minimumf %get3A_231, %max3A_216 : vector<16xf32>
      %max3A_238 = arith.maximumf %max3A_218, %min3A_237 : vector<16xf32>
      %min3A_239 = arith.minimumf %get3A_231, %max3A_218 : vector<16xf32>
      %max3A_240 = arith.maximumf %max3A_220, %min3A_239 : vector<16xf32>
      %min3A_241 = arith.minimumf %get3A_231, %max3A_220 : vector<16xf32>
      %max3A_242 = arith.maximumf %max3A_222, %min3A_241 : vector<16xf32>
      %min3A_243 = arith.minimumf %get3A_231, %max3A_222 : vector<16xf32>
      %max3A_244 = arith.maximumf %max3A_224, %min3A_243 : vector<16xf32>
      %min3A_245 = arith.minimumf %get3A_231, %max3A_224 : vector<16xf32>
      %max3A_246 = arith.maximumf %max3A_226, %min3A_245 : vector<16xf32>
      %get3A_247 = arith.constant 12 : i32
      %get3A_248 = arith.index_cast %get3A_247 : i32 to index
      %get3A_249 = arith.index_cast %mul3A_8 : i32 to index
      %get3A_250 = tpu.vector_load %arg4[%get3A_248, %get3A_249] {strides = array<i32>} : memref<64x256xf32, #tpu.memory_space<vmem>>, vector<1x16xf32>,
      %get3A_251 = vector.shape_cast %get3A_250 : vector<1x16xf32> to vector<16xf32>
      %max3A_252 = arith.maximumf %max3A_232, %get3A_251 : vector<16xf32>
      %min3A_253 = arith.minimumf %get3A_251, %max3A_232 : vector<16xf32>
      %max3A_254 = arith.maximumf %max3A_234, %min3A_253 : vector<16xf32>
      %min3A_255 = arith.minimumf %get3A_251, %max3A_234 : vector<16xf32>
      %max3A_256 = arith.maximumf %max3A_236, %min3A_255 : vector<16xf32>
      %min3A_257 = arith.minimumf %get3A_251, %max3A_236 : vector<16xf32>
      %max3A_258 = arith.maximumf %max3A_238, %min3A_257 : vector<16xf32>
      %min3A_259 = arith.minimumf %get3A_251, %max3A_238 : vector<16xf32>
      %max3A_260 = arith.maximumf %max3A_240, %min3A_259 : vector<16xf32>
      %min3A_261 = arith.minimumf %get3A_251, %max3A_240 : vector<16xf32>
      %max3A_262 = arith.maximumf %max3A_242, %min3A_261 : vector<16xf32>
      %min3A_263 = arith.minimumf %get3A_251, %max3A_242 : vector<16xf32>
      %max3A_264 = arith.maximumf %max3A_244, %min3A_263 : vector<16xf32>
      %min3A_265 = arith.minimumf %get3A_251, %max3A_244 : vector<16xf32>
      %max3A_266 = arith.maximumf %max3A_246, %min3A_265 : vector<16xf32>
      %get3A_267 = arith.constant 13 : i32
      %get3A_268 = arith.index_cast %get3A_267 : i32 to index
      %get3A_269 = arith.index_cast %mul3A_8 : i32 to index
      %get3A_270 = tpu.vector_load %arg4[%get3A_268, %get3A_269] {strides = array<i32>} : memref<64x256xf32, #tpu.memory_space<vmem>>, vector<1x16xf32>,
      %get3A_271 = vector.shape_cast %get3A_270 : vector<1x16xf32> to vector<16xf32>
      %max3A_272 = arith.maximumf %max3A_252, %get3A_271 : vector<16xf32>
      %min3A_273 = arith.minimumf %get3A_271, %max3A_252 : vector<16xf32>
      %max3A_274 = arith.maximumf %max3A_254, %min3A_273 : vector<16xf32>
      %min3A_275 = arith.minimumf %get3A_271, %max3A_254 : vector<16xf32>
      %max3A_276 = arith.maximumf %max3A_256, %min3A_275 : vector<16xf32>
      %min3A_277 = arith.minimumf %get3A_271, %max3A_256 : vector<16xf32>
      %max3A_278 = arith.maximumf %max3A_258, %min3A_277 : vector<16xf32>
      %min3A_279 = arith.minimumf %get3A_271, %max3A_258 : vector<16xf32>
      %max3A_280 = arith.maximumf %max3A_260, %min3A_279 : vector<16xf32>
      %min3A_281 = arith.minimumf %get3A_271, %max3A_260 : vector<16xf32>
      %max3A_282 = arith.maximumf %max3A_262, %min3A_281 : vector<16xf32>
      %min3A_283 = arith.minimumf %get3A_271, %max3A_262 : vector<16xf32>
      %max3A_284 = arith.maximumf %max3A_264, %min3A_283 : vector<16xf32>
      %min3A_285 = arith.minimumf %get3A_271, %max3A_264 : vector<16xf32>
      %max3A_286 = arith.maximumf %max3A_266, %min3A_285 : vector<16xf32>
      %get3A_287 = arith.constant 14 : i32
      %get3A_288 = arith.index_cast %get3A_287 : i32 to index
      %get3A_289 = arith.index_cast %mul3A_8 : i32 to index
      %get3A_290 = tpu.vector_load %arg4[%get3A_288, %get3A_289] {strides = array<i32>} : memref<64x256xf32, #tpu.memory_space<vmem>>, vector<1x16xf32>,
      %get3A_291 = vector.shape_cast %get3A_290 : vector<1x16xf32> to vector<16xf32>
      %max3A_292 = arith.maximumf %max3A_272, %get3A_291 : vector<16xf32>
      %min3A_293 = arith.minimumf %get3A_291, %max3A_272 : vector<16xf32>
      %max3A_294 = arith.maximumf %max3A_274, %min3A_293 : vector<16xf32>
      %min3A_295 = arith.minimumf %get3A_291, %max3A_274 : vector<16xf32>
      %max3A_296 = arith.maximumf %max3A_276, %min3A_295 : vector<16xf32>
      %min3A_297 = arith.minimumf %get3A_291, %max3A_276 : vector<16xf32>
      %max3A_298 = arith.maximumf %max3A_278, %min3A_297 : vector<16xf32>
      %min3A_299 = arith.minimumf %get3A_291, %max3A_278 : vector<16xf32>
      %max3A_300 = arith.maximumf %max3A_280, %min3A_299 : vector<16xf32>
      %min3A_301 = arith.minimumf %get3A_291, %max3A_280 : vector<16xf32>
      %max3A_302 = arith.maximumf %max3A_282, %min3A_301 : vector<16xf32>
      %min3A_303 = arith.minimumf %get3A_291, %max3A_282 : vector<16xf32>
      %max3A_304 = arith.maximumf %max3A_284, %min3A_303 : vector<16xf32>
      %min3A_305 = arith.minimumf %get3A_291, %max3A_284 : vector<16xf32>
      %max3A_306 = arith.maximumf %max3A_286, %min3A_305 : vector<16xf32>
      %get3A_307 = arith.constant 15 : i32
      %get3A_308 = arith.index_cast %get3A_307 : i32 to index
      %get3A_309 = arith.index_cast %mul3A_8 : i32 to index
      %get3A_310 = tpu.vector_load %arg4[%get3A_308, %get3A_309] {strides = array<i32>} : memref<64x256xf32, #tpu.memory_space<vmem>>, vector<1x16xf32>,
      %get3A_311 = vector.shape_cast %get3A_310 : vector<1x16xf32> to vector<16xf32>
      %max3A_312 = arith.maximumf %max3A_292, %get3A_311 : vector<16xf32>
      %min3A_313 = arith.minimumf %get3A_311, %max3A_292 : vector<16xf32>
      %max3A_314 = arith.maximumf %max3A_294, %min3A_313 : vector<16xf32>
      %min3A_315 = arith.minimumf %get3A_311, %max3A_294 : vector<16xf32>
      %max3A_316 = arith.maximumf %max3A_296, %min3A_315 : vector<16xf32>
      %min3A_317 = arith.minimumf %get3A_311, %max3A_296 : vector<16xf32>
      %max3A_318 = arith.maximumf %max3A_298, %min3A_317 : vector<16xf32>
      %min3A_319 = arith.minimumf %get3A_311, %max3A_298 : vector<16xf32>
      %max3A_320 = arith.maximumf %max3A_300, %min3A_319 : vector<16xf32>
      %min3A_321 = arith.minimumf %get3A_311, %max3A_300 : vector<16xf32>
      %max3A_322 = arith.maximumf %max3A_302, %min3A_321 : vector<16xf32>
      %min3A_323 = arith.minimumf %get3A_311, %max3A_302 : vector<16xf32>
      %max3A_324 = arith.maximumf %max3A_304, %min3A_323 : vector<16xf32>
      %min3A_325 = arith.minimumf %get3A_311, %max3A_304 : vector<16xf32>
      %max3A_326 = arith.maximumf %max3A_306, %min3A_325 : vector<16xf32>
      %get3A_327 = arith.constant 16 : i32
      %get3A_328 = arith.index_cast %get3A_327 : i32 to index
      %get3A_329 = arith.index_cast %mul3A_8 : i32 to index
      %get3A_330 = tpu.vector_load %arg4[%get3A_328, %get3A_329] {strides = array<i32>} : memref<64x256xf32, #tpu.memory_space<vmem>>, vector<1x16xf32>,
      %get3A_331 = vector.shape_cast %get3A_330 : vector<1x16xf32> to vector<16xf32>
      %max3A_332 = arith.maximumf %max3A_312, %get3A_331 : vector<16xf32>
      %min3A_333 = arith.minimumf %get3A_331, %max3A_312 : vector<16xf32>
      %max3A_334 = arith.maximumf %max3A_314, %min3A_333 : vector<16xf32>
      %min3A_335 = arith.minimumf %get3A_331, %max3A_314 : vector<16xf32>
      %max3A_336 = arith.maximumf %max3A_316, %min3A_335 : vector<16xf32>
      %min3A_337 = arith.minimumf %get3A_331, %max3A_316 : vector<16xf32>
      %max3A_338 = arith.maximumf %max3A_318, %min3A_337 : vector<16xf32>
      %min3A_339 = arith.minimumf %get3A_331, %max3A_318 : vector<16xf32>
      %max3A_340 = arith.maximumf %max3A_320, %min3A_339 : vector<16xf32>
      %min3A_341 = arith.minimumf %get3A_331, %max3A_320 : vector<16xf32>
      %max3A_342 = arith.maximumf %max3A_322, %min3A_341 : vector<16xf32>
      %min3A_343 = arith.minimumf %get3A_331, %max3A_322 : vector<16xf32>
      %max3A_344 = arith.maximumf %max3A_324, %min3A_343 : vector<16xf32>
      %min3A_345 = arith.minimumf %get3A_331, %max3A_324 : vector<16xf32>
      %max3A_346 = arith.maximumf %max3A_326, %min3A_345 : vector<16xf32>
      %get3A_347 = arith.constant 17 : i32
      %get3A_348 = arith.index_cast %get3A_347 : i32 to index
      %get3A_349 = arith.index_cast %mul3A_8 : i32 to index
      %get3A_350 = tpu.vector_load %arg4[%get3A_348, %get3A_349] {strides = array<i32>} : memref<64x256xf32, #tpu.memory_space<vmem>>, vector<1x16xf32>,
      %get3A_351 = vector.shape_cast %get3A_350 : vector<1x16xf32> to vector<16xf32>
      %max3A_352 = arith.maximumf %max3A_332, %get3A_351 : vector<16xf32>
      %min3A_353 = arith.minimumf %get3A_351, %max3A_332 : vector<16xf32>
      %max3A_354 = arith.maximumf %max3A_334, %min3A_353 : vector<16xf32>
      %min3A_355 = arith.minimumf %get3A_351, %max3A_334 : vector<16xf32>
      %max3A_356 = arith.maximumf %max3A_336, %min3A_355 : vector<16xf32>
      %min3A_357 = arith.minimumf %get3A_351, %max3A_336 : vector<16xf32>
      %max3A_358 = arith.maximumf %max3A_338, %min3A_357 : vector<16xf32>
      %min3A_359 = arith.minimumf %get3A_351, %max3A_338 : vector<16xf32>
      %max3A_360 = arith.maximumf %max3A_340, %min3A_359 : vector<16xf32>
      %min3A_361 = arith.minimumf %get3A_351, %max3A_340 : vector<16xf32>
      %max3A_362 = arith.maximumf %max3A_342, %min3A_361 : vector<16xf32>
      %min3A_363 = arith.minimumf %get3A_351, %max3A_342 : vector<16xf32>
      %max3A_364 = arith.maximumf %max3A_344, %min3A_363 : vector<16xf32>
      %min3A_365 = arith.minimumf %get3A_351, %max3A_344 : vector<16xf32>
      %max3A_366 = arith.maximumf %max3A_346, %min3A_365 : vector<16xf32>
      %get3A_367 = arith.constant 18 : i32
      %get3A_368 = arith.index_cast %get3A_367 : i32 to index
      %get3A_369 = arith.index_cast %mul3A_8 : i32 to index
      %get3A_370 = tpu.vector_load %arg4[%get3A_368, %get3A_369] {strides = array<i32>} : memref<64x256xf32, #tpu.memory_space<vmem>>, vector<1x16xf32>,
      %get3A_371 = vector.shape_cast %get3A_370 : vector<1x16xf32> to vector<16xf32>
      %max3A_372 = arith.maximumf %max3A_352, %get3A_371 : vector<16xf32>
      %min3A_373 = arith.minimumf %get3A_371, %max3A_352 : vector<16xf32>
      %max3A_374 = arith.maximumf %max3A_354, %min3A_373 : vector<16xf32>
      %min3A_375 = arith.minimumf %get3A_371, %max3A_354 : vector<16xf32>
      %max3A_376 = arith.maximumf %max3A_356, %min3A_375 : vector<16xf32>
      %min3A_377 = arith.minimumf %get3A_371, %max3A_356 : vector<16xf32>
      %max3A_378 = arith.maximumf %max3A_358, %min3A_377 : vector<16xf32>
      %min3A_379 = arith.minimumf %get3A_371, %max3A_358 : vector<16xf32>
      %max3A_380 = arith.maximumf %max3A_360, %min3A_379 : vector<16xf32>
      %min3A_381 = arith.minimumf %get3A_371, %max3A_360 : vector<16xf32>
      %max3A_382 = arith.maximumf %max3A_362, %min3A_381 : vector<16xf32>
      %min3A_383 = arith.minimumf %get3A_371, %max3A_362 : vector<16xf32>
      %max3A_384 = arith.maximumf %max3A_364, %min3A_383 : vector<16xf32>
      %min3A_385 = arith.minimumf %get3A_371, %max3A_364 : vector<16xf32>
      %max3A_386 = arith.maximumf %max3A_366, %min3A_385 : vector<16xf32>
      %get3A_387 = arith.constant 19 : i32
      %get3A_388 = arith.index_cast %get3A_387 : i32 to index
      %get3A_389 = arith.index_cast %mul3A_8 : i32 to index
      %get3A_390 = tpu.vector_load %arg4[%get3A_388, %get3A_389] {strides = array<i32>} : memref<64x256xf32, #tpu.memory_space<vmem>>, vector<1x16xf32>,
      %get3A_391 = vector.shape_cast %get3A_390 : vector<1x16xf32> to vector<16xf32>
      %max3A_392 = arith.maximumf %max3A_372, %get3A_391 : vector<16xf32>
      %min3A_393 = arith.minimumf %get3A_391, %max3A_372 : vector<16xf32>
      %max3A_394 = arith.maximumf %max3A_374, %min3A_393 : vector<16xf32>
      %min3A_395 = arith.minimumf %get3A_391, %max3A_374 : vector<16xf32>
      %max3A_396 = arith.maximumf %max3A_376, %min3A_395 : vector<16xf32>
      %min3A_397 = arith.minimumf %get3A_391, %max3A_376 : vector<16xf32>
      %max3A_398 = arith.maximumf %max3A_378, %min3A_397 : vector<16xf32>
      %min3A_399 = arith.minimumf %get3A_391, %max3A_378 : vector<16xf32>
      %max3A_400 = arith.maximumf %max3A_380, %min3A_399 : vector<16xf32>
      %min3A_401 = arith.minimumf %get3A_391, %max3A_380 : vector<16xf32>
      %max3A_402 = arith.maximumf %max3A_382, %min3A_401 : vector<16xf32>
      %min3A_403 = arith.minimumf %get3A_391, %max3A_382 : vector<16xf32>
      %max3A_404 = arith.maximumf %max3A_384, %min3A_403 : vector<16xf32>
      %min3A_405 = arith.minimumf %get3A_391, %max3A_384 : vector<16xf32>
      %max3A_406 = arith.maximumf %max3A_386, %min3A_405 : vector<16xf32>
      %get3A_407 = arith.constant 20 : i32
      %get3A_408 = arith.index_cast %get3A_407 : i32 to index
      %get3A_409 = arith.index_cast %mul3A_8 : i32 to index
      %get3A_410 = tpu.vector_load %arg4[%get3A_408, %get3A_409] {strides = array<i32>} : memref<64x256xf32, #tpu.memory_space<vmem>>, vector<1x16xf32>,
      %get3A_411 = vector.shape_cast %get3A_410 : vector<1x16xf32> to vector<16xf32>
      %max3A_412 = arith.maximumf %max3A_392, %get3A_411 : vector<16xf32>
      %min3A_413 = arith.minimumf %get3A_411, %max3A_392 : vector<16xf32>
      %max3A_414 = arith.maximumf %max3A_394, %min3A_413 : vector<16xf32>
      %min3A_415 = arith.minimumf %get3A_411, %max3A_394 : vector<16xf32>
      %max3A_416 = arith.maximumf %max3A_396, %min3A_415 : vector<16xf32>
      %min3A_417 = arith.minimumf %get3A_411, %max3A_396 : vector<16xf32>
      %max3A_418 = arith.maximumf %max3A_398, %min3A_417 : vector<16xf32>
      %min3A_419 = arith.minimumf %get3A_411, %max3A_398 : vector<16xf32>
      %max3A_420 = arith.maximumf %max3A_400, %min3A_419 : vector<16xf32>
      %min3A_421 = arith.minimumf %get3A_411, %max3A_400 : vector<16xf32>
      %max3A_422 = arith.maximumf %max3A_402, %min3A_421 : vector<16xf32>
      %min3A_423 = arith.minimumf %get3A_411, %max3A_402 : vector<16xf32>
      %max3A_424 = arith.maximumf %max3A_404, %min3A_423 : vector<16xf32>
      %min3A_425 = arith.minimumf %get3A_411, %max3A_404 : vector<16xf32>
      %max3A_426 = arith.maximumf %max3A_406, %min3A_425 : vector<16xf32>
      %get3A_427 = arith.constant 21 : i32
      %get3A_428 = arith.index_cast %get3A_427 : i32 to index
      %get3A_429 = arith.index_cast %mul3A_8 : i32 to index
      %get3A_430 = tpu.vector_load %arg4[%get3A_428, %get3A_429] {strides = array<i32>} : memref<64x256xf32, #tpu.memory_space<vmem>>, vector<1x16xf32>,
      %get3A_431 = vector.shape_cast %get3A_430 : vector<1x16xf32> to vector<16xf32>
      %max3A_432 = arith.maximumf %max3A_412, %get3A_431 : vector<16xf32>
      %min3A_433 = arith.minimumf %get3A_431, %max3A_412 : vector<16xf32>
      %max3A_434 = arith.maximumf %max3A_414, %min3A_433 : vector<16xf32>
      %min3A_435 = arith.minimumf %get3A_431, %max3A_414 : vector<16xf32>
      %max3A_436 = arith.maximumf %max3A_416, %min3A_435 : vector<16xf32>
      %min3A_437 = arith.minimumf %get3A_431, %max3A_416 : vector<16xf32>
      %max3A_438 = arith.maximumf %max3A_418, %min3A_437 : vector<16xf32>
      %min3A_439 = arith.minimumf %get3A_431, %max3A_418 : vector<16xf32>
      %max3A_440 = arith.maximumf %max3A_420, %min3A_439 : vector<16xf32>
      %min3A_441 = arith.minimumf %get3A_431, %max3A_420 : vector<16xf32>
      %max3A_442 = arith.maximumf %max3A_422, %min3A_441 : vector<16xf32>
      %min3A_443 = arith.minimumf %get3A_431, %max3A_422 : vector<16xf32>
      %max3A_444 = arith.maximumf %max3A_424, %min3A_443 : vector<16xf32>
      %min3A_445 = arith.minimumf %get3A_431, %max3A_424 : vector<16xf32>
      %max3A_446 = arith.maximumf %max3A_426, %min3A_445 : vector<16xf32>
      %get3A_447 = arith.constant 22 : i32
      %get3A_448 = arith.index_cast %get3A_447 : i32 to index
      %get3A_449 = arith.index_cast %mul3A_8 : i32 to index
      %get3A_450 = tpu.vector_load %arg4[%get3A_448, %get3A_449] {strides = array<i32>} : memref<64x256xf32, #tpu.memory_space<vmem>>, vector<1x16xf32>,
      %get3A_451 = vector.shape_cast %get3A_450 : vector<1x16xf32> to vector<16xf32>
      %max3A_452 = arith.maximumf %max3A_432, %get3A_451 : vector<16xf32>
      %min3A_453 = arith.minimumf %get3A_451, %max3A_432 : vector<16xf32>
      %max3A_454 = arith.maximumf %max3A_434, %min3A_453 : vector<16xf32>
      %min3A_455 = arith.minimumf %get3A_451, %max3A_434 : vector<16xf32>
      %max3A_456 = arith.maximumf %max3A_436, %min3A_455 : vector<16xf32>
      %min3A_457 = arith.minimumf %get3A_451, %max3A_436 : vector<16xf32>
      %max3A_458 = arith.maximumf %max3A_438, %min3A_457 : vector<16xf32>
      %min3A_459 = arith.minimumf %get3A_451, %max3A_438 : vector<16xf32>
      %max3A_460 = arith.maximumf %max3A_440, %min3A_459 : vector<16xf32>
      %min3A_461 = arith.minimumf %get3A_451, %max3A_440 : vector<16xf32>
      %max3A_462 = arith.maximumf %max3A_442, %min3A_461 : vector<16xf32>
      %min3A_463 = arith.minimumf %get3A_451, %max3A_442 : vector<16xf32>
      %max3A_464 = arith.maximumf %max3A_444, %min3A_463 : vector<16xf32>
      %min3A_465 = arith.minimumf %get3A_451, %max3A_444 : vector<16xf32>
      %max3A_466 = arith.maximumf %max3A_446, %min3A_465 : vector<16xf32>
      %get3A_467 = arith.constant 23 : i32
      %get3A_468 = arith.index_cast %get3A_467 : i32 to index
      %get3A_469 = arith.index_cast %mul3A_8 : i32 to index
      %get3A_470 = tpu.vector_load %arg4[%get3A_468, %get3A_469] {strides = array<i32>} : memref<64x256xf32, #tpu.memory_space<vmem>>, vector<1x16xf32>,
      %get3A_471 = vector.shape_cast %get3A_470 : vector<1x16xf32> to vector<16xf32>
      %max3A_472 = arith.maximumf %max3A_452, %get3A_471 : vector<16xf32>
      %min3A_473 = arith.minimumf %get3A_471, %max3A_452 : vector<16xf32>
      %max3A_474 = arith.maximumf %max3A_454, %min3A_473 : vector<16xf32>
      %min3A_475 = arith.minimumf %get3A_471, %max3A_454 : vector<16xf32>
      %max3A_476 = arith.maximumf %max3A_456, %min3A_475 : vector<16xf32>
      %min3A_477 = arith.minimumf %get3A_471, %max3A_456 : vector<16xf32>
      %max3A_478 = arith.maximumf %max3A_458, %min3A_477 : vector<16xf32>
      %min3A_479 = arith.minimumf %get3A_471, %max3A_458 : vector<16xf32>
      %max3A_480 = arith.maximumf %max3A_460, %min3A_479 : vector<16xf32>
      %min3A_481 = arith.minimumf %get3A_471, %max3A_460 : vector<16xf32>
      %max3A_482 = arith.maximumf %max3A_462, %min3A_481 : vector<16xf32>
      %min3A_483 = arith.minimumf %get3A_471, %max3A_462 : vector<16xf32>
      %max3A_484 = arith.maximumf %max3A_464, %min3A_483 : vector<16xf32>
      %min3A_485 = arith.minimumf %get3A_471, %max3A_464 : vector<16xf32>
      %max3A_486 = arith.maximumf %max3A_466, %min3A_485 : vector<16xf32>
      %get3A_487 = arith.constant 24 : i32
      %get3A_488 = arith.index_cast %get3A_487 : i32 to index
      %get3A_489 = arith.index_cast %mul3A_8 : i32 to index
      %get3A_490 = tpu.vector_load %arg4[%get3A_488, %get3A_489] {strides = array<i32>} : memref<64x256xf32, #tpu.memory_space<vmem>>, vector<1x16xf32>,
      %get3A_491 = vector.shape_cast %get3A_490 : vector<1x16xf32> to vector<16xf32>
      %max3A_492 = arith.maximumf %max3A_472, %get3A_491 : vector<16xf32>
      %min3A_493 = arith.minimumf %get3A_491, %max3A_472 : vector<16xf32>
      %max3A_494 = arith.maximumf %max3A_474, %min3A_493 : vector<16xf32>
      %min3A_495 = arith.minimumf %get3A_491, %max3A_474 : vector<16xf32>
      %max3A_496 = arith.maximumf %max3A_476, %min3A_495 : vector<16xf32>
      %min3A_497 = arith.minimumf %get3A_491, %max3A_476 : vector<16xf32>
      %max3A_498 = arith.maximumf %max3A_478, %min3A_497 : vector<16xf32>
      %min3A_499 = arith.minimumf %get3A_491, %max3A_478 : vector<16xf32>
      %max3A_500 = arith.maximumf %max3A_480, %min3A_499 : vector<16xf32>
      %min3A_501 = arith.minimumf %get3A_491, %max3A_480 : vector<16xf32>
      %max3A_502 = arith.maximumf %max3A_482, %min3A_501 : vector<16xf32>
      %min3A_503 = arith.minimumf %get3A_491, %max3A_482 : vector<16xf32>
      %max3A_504 = arith.maximumf %max3A_484, %min3A_503 : vector<16xf32>
      %min3A_505 = arith.minimumf %get3A_491, %max3A_484 : vector<16xf32>
      %max3A_506 = arith.maximumf %max3A_486, %min3A_505 : vector<16xf32>
      %get3A_507 = arith.constant 25 : i32
      %get3A_508 = arith.index_cast %get3A_507 : i32 to index
      %get3A_509 = arith.index_cast %mul3A_8 : i32 to index
      %get3A_510 = tpu.vector_load %arg4[%get3A_508, %get3A_509] {strides = array<i32>} : memref<64x256xf32, #tpu.memory_space<vmem>>, vector<1x16xf32>,
      %get3A_511 = vector.shape_cast %get3A_510 : vector<1x16xf32> to vector<16xf32>
      %max3A_512 = arith.maximumf %max3A_492, %get3A_511 : vector<16xf32>
      %min3A_513 = arith.minimumf %get3A_511, %max3A_492 : vector<16xf32>
      %max3A_514 = arith.maximumf %max3A_494, %min3A_513 : vector<16xf32>
      %min3A_515 = arith.minimumf %get3A_511, %max3A_494 : vector<16xf32>
      %max3A_516 = arith.maximumf %max3A_496, %min3A_515 : vector<16xf32>
      %min3A_517 = arith.minimumf %get3A_511, %max3A_496 : vector<16xf32>
      %max3A_518 = arith.maximumf %max3A_498, %min3A_517 : vector<16xf32>
      %min3A_519 = arith.minimumf %get3A_511, %max3A_498 : vector<16xf32>
      %max3A_520 = arith.maximumf %max3A_500, %min3A_519 : vector<16xf32>
      %min3A_521 = arith.minimumf %get3A_511, %max3A_500 : vector<16xf32>
      %max3A_522 = arith.maximumf %max3A_502, %min3A_521 : vector<16xf32>
      %min3A_523 = arith.minimumf %get3A_511, %max3A_502 : vector<16xf32>
      %max3A_524 = arith.maximumf %max3A_504, %min3A_523 : vector<16xf32>
      %min3A_525 = arith.minimumf %get3A_511, %max3A_504 : vector<16xf32>
      %max3A_526 = arith.maximumf %max3A_506, %min3A_525 : vector<16xf32>
      %get3A_527 = arith.constant 26 : i32
      %get3A_528 = arith.index_cast %get3A_527 : i32 to index
      %get3A_529 = arith.index_cast %mul3A_8 : i32 to index
      %get3A_530 = tpu.vector_load %arg4[%get3A_528, %get3A_529] {strides = array<i32>} : memref<64x256xf32, #tpu.memory_space<vmem>>, vector<1x16xf32>,
      %get3A_531 = vector.shape_cast %get3A_530 : vector<1x16xf32> to vector<16xf32>
      %max3A_532 = arith.maximumf %max3A_512, %get3A_531 : vector<16xf32>
      %min3A_533 = arith.minimumf %get3A_531, %max3A_512 : vector<16xf32>
      %max3A_534 = arith.maximumf %max3A_514, %min3A_533 : vector<16xf32>
      %min3A_535 = arith.minimumf %get3A_531, %max3A_514 : vector<16xf32>
      %max3A_536 = arith.maximumf %max3A_516, %min3A_535 : vector<16xf32>
      %min3A_537 = arith.minimumf %get3A_531, %max3A_516 : vector<16xf32>
      %max3A_538 = arith.maximumf %max3A_518, %min3A_537 : vector<16xf32>
      %min3A_539 = arith.minimumf %get3A_531, %max3A_518 : vector<16xf32>
      %max3A_540 = arith.maximumf %max3A_520, %min3A_539 : vector<16xf32>
      %min3A_541 = arith.minimumf %get3A_531, %max3A_520 : vector<16xf32>
      %max3A_542 = arith.maximumf %max3A_522, %min3A_541 : vector<16xf32>
      %min3A_543 = arith.minimumf %get3A_531, %max3A_522 : vector<16xf32>
      %max3A_544 = arith.maximumf %max3A_524, %min3A_543 : vector<16xf32>
      %min3A_545 = arith.minimumf %get3A_531, %max3A_524 : vector<16xf32>
      %max3A_546 = arith.maximumf %max3A_526, %min3A_545 : vector<16xf32>
      %get3A_547 = arith.constant 27 : i32
      %get3A_548 = arith.index_cast %get3A_547 : i32 to index
      %get3A_549 = arith.index_cast %mul3A_8 : i32 to index
      %get3A_550 = tpu.vector_load %arg4[%get3A_548, %get3A_549] {strides = array<i32>} : memref<64x256xf32, #tpu.memory_space<vmem>>, vector<1x16xf32>,
      %get3A_551 = vector.shape_cast %get3A_550 : vector<1x16xf32> to vector<16xf32>
      %max3A_552 = arith.maximumf %max3A_532, %get3A_551 : vector<16xf32>
      %min3A_553 = arith.minimumf %get3A_551, %max3A_532 : vector<16xf32>
      %max3A_554 = arith.maximumf %max3A_534, %min3A_553 : vector<16xf32>
      %min3A_555 = arith.minimumf %get3A_551, %max3A_534 : vector<16xf32>
      %max3A_556 = arith.maximumf %max3A_536, %min3A_555 : vector<16xf32>
      %min3A_557 = arith.minimumf %get3A_551, %max3A_536 : vector<16xf32>
      %max3A_558 = arith.maximumf %max3A_538, %min3A_557 : vector<16xf32>
      %min3A_559 = arith.minimumf %get3A_551, %max3A_538 : vector<16xf32>
      %max3A_560 = arith.maximumf %max3A_540, %min3A_559 : vector<16xf32>
      %min3A_561 = arith.minimumf %get3A_551, %max3A_540 : vector<16xf32>
      %max3A_562 = arith.maximumf %max3A_542, %min3A_561 : vector<16xf32>
      %min3A_563 = arith.minimumf %get3A_551, %max3A_542 : vector<16xf32>
      %max3A_564 = arith.maximumf %max3A_544, %min3A_563 : vector<16xf32>
      %min3A_565 = arith.minimumf %get3A_551, %max3A_544 : vector<16xf32>
      %max3A_566 = arith.maximumf %max3A_546, %min3A_565 : vector<16xf32>
      %get3A_567 = arith.constant 28 : i32
      %get3A_568 = arith.index_cast %get3A_567 : i32 to index
      %get3A_569 = arith.index_cast %mul3A_8 : i32 to index
      %get3A_570 = tpu.vector_load %arg4[%get3A_568, %get3A_569] {strides = array<i32>} : memref<64x256xf32, #tpu.memory_space<vmem>>, vector<1x16xf32>,
      %get3A_571 = vector.shape_cast %get3A_570 : vector<1x16xf32> to vector<16xf32>
      %max3A_572 = arith.maximumf %max3A_552, %get3A_571 : vector<16xf32>
      %min3A_573 = arith.minimumf %get3A_571, %max3A_552 : vector<16xf32>
      %max3A_574 = arith.maximumf %max3A_554, %min3A_573 : vector<16xf32>
      %min3A_575 = arith.minimumf %get3A_571, %max3A_554 : vector<16xf32>
      %max3A_576 = arith.maximumf %max3A_556, %min3A_575 : vector<16xf32>
      %min3A_577 = arith.minimumf %get3A_571, %max3A_556 : vector<16xf32>
      %max3A_578 = arith.maximumf %max3A_558, %min3A_577 : vector<16xf32>
      %min3A_579 = arith.minimumf %get3A_571, %max3A_558 : vector<16xf32>
      %max3A_580 = arith.maximumf %max3A_560, %min3A_579 : vector<16xf32>
      %min3A_581 = arith.minimumf %get3A_571, %max3A_560 : vector<16xf32>
      %max3A_582 = arith.maximumf %max3A_562, %min3A_581 : vector<16xf32>
      %min3A_583 = arith.minimumf %get3A_571, %max3A_562 : vector<16xf32>
      %max3A_584 = arith.maximumf %max3A_564, %min3A_583 : vector<16xf32>
      %min3A_585 = arith.minimumf %get3A_571, %max3A_564 : vector<16xf32>
      %max3A_586 = arith.maximumf %max3A_566, %min3A_585 : vector<16xf32>
      %get3A_587 = arith.constant 29 : i32
      %get3A_588 = arith.index_cast %get3A_587 : i32 to index
      %get3A_589 = arith.index_cast %mul3A_8 : i32 to index
      %get3A_590 = tpu.vector_load %arg4[%get3A_588, %get3A_589] {strides = array<i32>} : memref<64x256xf32, #tpu.memory_space<vmem>>, vector<1x16xf32>,
      %get3A_591 = vector.shape_cast %get3A_590 : vector<1x16xf32> to vector<16xf32>
      %max3A_592 = arith.maximumf %max3A_572, %get3A_591 : vector<16xf32>
      %min3A_593 = arith.minimumf %get3A_591, %max3A_572 : vector<16xf32>
      %max3A_594 = arith.maximumf %max3A_574, %min3A_593 : vector<16xf32>
      %min3A_595 = arith.minimumf %get3A_591, %max3A_574 : vector<16xf32>
      %max3A_596 = arith.maximumf %max3A_576, %min3A_595 : vector<16xf32>
      %min3A_597 = arith.minimumf %get3A_591, %max3A_576 : vector<16xf32>
      %max3A_598 = arith.maximumf %max3A_578, %min3A_597 : vector<16xf32>
      %min3A_599 = arith.minimumf %get3A_591, %max3A_578 : vector<16xf32>
      %max3A_600 = arith.maximumf %max3A_580, %min3A_599 : vector<16xf32>
      %min3A_601 = arith.minimumf %get3A_591, %max3A_580 : vector<16xf32>
      %max3A_602 = arith.maximumf %max3A_582, %min3A_601 : vector<16xf32>
      %min3A_603 = arith.minimumf %get3A_591, %max3A_582 : vector<16xf32>
      %max3A_604 = arith.maximumf %max3A_584, %min3A_603 : vector<16xf32>
      %min3A_605 = arith.minimumf %get3A_591, %max3A_584 : vector<16xf32>
      %max3A_606 = arith.maximumf %max3A_586, %min3A_605 : vector<16xf32>
      %get3A_607 = arith.constant 30 : i32
      %get3A_608 = arith.index_cast %get3A_607 : i32 to index
      %get3A_609 = arith.index_cast %mul3A_8 : i32 to index
      %get3A_610 = tpu.vector_load %arg4[%get3A_608, %get3A_609] {strides = array<i32>} : memref<64x256xf32, #tpu.memory_space<vmem>>, vector<1x16xf32>,
      %get3A_611 = vector.shape_cast %get3A_610 : vector<1x16xf32> to vector<16xf32>
      %max3A_612 = arith.maximumf %max3A_592, %get3A_611 : vector<16xf32>
      %min3A_613 = arith.minimumf %get3A_611, %max3A_592 : vector<16xf32>
      %max3A_614 = arith.maximumf %max3A_594, %min3A_613 : vector<16xf32>
      %min3A_615 = arith.minimumf %get3A_611, %max3A_594 : vector<16xf32>
      %max3A_616 = arith.maximumf %max3A_596, %min3A_615 : vector<16xf32>
      %min3A_617 = arith.minimumf %get3A_611, %max3A_596 : vector<16xf32>
      %max3A_618 = arith.maximumf %max3A_598, %min3A_617 : vector<16xf32>
      %min3A_619 = arith.minimumf %get3A_611, %max3A_598 : vector<16xf32>
      %max3A_620 = arith.maximumf %max3A_600, %min3A_619 : vector<16xf32>
      %min3A_621 = arith.minimumf %get3A_611, %max3A_600 : vector<16xf32>
      %max3A_622 = arith.maximumf %max3A_602, %min3A_621 : vector<16xf32>
      %min3A_623 = arith.minimumf %get3A_611, %max3A_602 : vector<16xf32>
      %max3A_624 = arith.maximumf %max3A_604, %min3A_623 : vector<16xf32>
      %min3A_625 = arith.minimumf %get3A_611, %max3A_604 : vector<16xf32>
      %max3A_626 = arith.maximumf %max3A_606, %min3A_625 : vector<16xf32>
      %get3A_627 = arith.constant 31 : i32
      %get3A_628 = arith.index_cast %get3A_627 : i32 to index
      %get3A_629 = arith.index_cast %mul3A_8 : i32 to index
      %get3A_630 = tpu.vector_load %arg4[%get3A_628, %get3A_629] {strides = array<i32>} : memref<64x256xf32, #tpu.memory_space<vmem>>, vector<1x16xf32>,
      %get3A_631 = vector.shape_cast %get3A_630 : vector<1x16xf32> to vector<16xf32>
      %max3A_632 = arith.maximumf %max3A_612, %get3A_631 : vector<16xf32>
      %min3A_633 = arith.minimumf %get3A_631, %max3A_612 : vector<16xf32>
      %max3A_634 = arith.maximumf %max3A_614, %min3A_633 : vector<16xf32>
      %min3A_635 = arith.minimumf %get3A_631, %max3A_614 : vector<16xf32>
      %max3A_636 = arith.maximumf %max3A_616, %min3A_635 : vector<16xf32>
      %min3A_637 = arith.minimumf %get3A_631, %max3A_616 : vector<16xf32>
      %max3A_638 = arith.maximumf %max3A_618, %min3A_637 : vector<16xf32>
      %min3A_639 = arith.minimumf %get3A_631, %max3A_618 : vector<16xf32>
      %max3A_640 = arith.maximumf %max3A_620, %min3A_639 : vector<16xf32>
      %min3A_641 = arith.minimumf %get3A_631, %max3A_620 : vector<16xf32>
      %max3A_642 = arith.maximumf %max3A_622, %min3A_641 : vector<16xf32>
      %min3A_643 = arith.minimumf %get3A_631, %max3A_622 : vector<16xf32>
      %max3A_644 = arith.maximumf %max3A_624, %min3A_643 : vector<16xf32>
      %min3A_645 = arith.minimumf %get3A_631, %max3A_624 : vector<16xf32>
      %max3A_646 = arith.maximumf %max3A_626, %min3A_645 : vector<16xf32>
      %get3A_647 = arith.constant 32 : i32
      %get3A_648 = arith.index_cast %get3A_647 : i32 to index
      %get3A_649 = arith.index_cast %mul3A_8 : i32 to index
      %get3A_650 = tpu.vector_load %arg4[%get3A_648, %get3A_649] {strides = array<i32>} : memref<64x256xf32, #tpu.memory_space<vmem>>, vector<1x16xf32>,
      %get3A_651 = vector.shape_cast %get3A_650 : vector<1x16xf32> to vector<16xf32>
      %max3A_652 = arith.maximumf %max3A_632, %get3A_651 : vector<16xf32>
      %min3A_653 = arith.minimumf %get3A_651, %max3A_632 : vector<16xf32>
      %max3A_654 = arith.maximumf %max3A_634, %min3A_653 : vector<16xf32>
      %min3A_655 = arith.minimumf %get3A_651, %max3A_634 : vector<16xf32>
      %max3A_656 = arith.maximumf %max3A_636, %min3A_655 : vector<16xf32>
      %min3A_657 = arith.minimumf %get3A_651, %max3A_636 : vector<16xf32>
      %max3A_658 = arith.maximumf %max3A_638, %min3A_657 : vector<16xf32>
      %min3A_659 = arith.minimumf %get3A_651, %max3A_638 : vector<16xf32>
      %max3A_660 = arith.maximumf %max3A_640, %min3A_659 : vector<16xf32>
      %min3A_661 = arith.minimumf %get3A_651, %max3A_640 : vector<16xf32>
      %max3A_662 = arith.maximumf %max3A_642, %min3A_661 : vector<16xf32>
      %min3A_663 = arith.minimumf %get3A_651, %max3A_642 : vector<16xf32>
      %max3A_664 = arith.maximumf %max3A_644, %min3A_663 : vector<16xf32>
      %min3A_665 = arith.minimumf %get3A_651, %max3A_644 : vector<16xf32>
      %max3A_666 = arith.maximumf %max3A_646, %min3A_665 : vector<16xf32>
      %get3A_667 = arith.constant 33 : i32
      %get3A_668 = arith.index_cast %get3A_667 : i32 to index
      %get3A_669 = arith.index_cast %mul3A_8 : i32 to index
      %get3A_670 = tpu.vector_load %arg4[%get3A_668, %get3A_669] {strides = array<i32>} : memref<64x256xf32, #tpu.memory_space<vmem>>, vector<1x16xf32>,
      %get3A_671 = vector.shape_cast %get3A_670 : vector<1x16xf32> to vector<16xf32>
      %max3A_672 = arith.maximumf %max3A_652, %get3A_671 : vector<16xf32>
      %min3A_673 = arith.minimumf %get3A_671, %max3A_652 : vector<16xf32>
      %max3A_674 = arith.maximumf %max3A_654, %min3A_673 : vector<16xf32>
      %min3A_675 = arith.minimumf %get3A_671, %max3A_654 : vector<16xf32>
      %max3A_676 = arith.maximumf %max3A_656, %min3A_675 : vector<16xf32>
      %min3A_677 = arith.minimumf %get3A_671, %max3A_656 : vector<16xf32>
      %max3A_678 = arith.maximumf %max3A_658, %min3A_677 : vector<16xf32>
      %min3A_679 = arith.minimumf %get3A_671, %max3A_658 : vector<16xf32>
      %max3A_680 = arith.maximumf %max3A_660, %min3A_679 : vector<16xf32>
      %min3A_681 = arith.minimumf %get3A_671, %max3A_660 : vector<16xf32>
      %max3A_682 = arith.maximumf %max3A_662, %min3A_681 : vector<16xf32>
      %min3A_683 = arith.minimumf %get3A_671, %max3A_662 : vector<16xf32>
      %max3A_684 = arith.maximumf %max3A_664, %min3A_683 : vector<16xf32>
      %min3A_685 = arith.minimumf %get3A_671, %max3A_664 : vector<16xf32>
      %max3A_686 = arith.maximumf %max3A_666, %min3A_685 : vector<16xf32>
      %get3A_687 = arith.constant 34 : i32
      %get3A_688 = arith.index_cast %get3A_687 : i32 to index
      %get3A_689 = arith.index_cast %mul3A_8 : i32 to index
      %get3A_690 = tpu.vector_load %arg4[%get3A_688, %get3A_689] {strides = array<i32>} : memref<64x256xf32, #tpu.memory_space<vmem>>, vector<1x16xf32>,
      %get3A_691 = vector.shape_cast %get3A_690 : vector<1x16xf32> to vector<16xf32>
      %max3A_692 = arith.maximumf %max3A_672, %get3A_691 : vector<16xf32>
      %min3A_693 = arith.minimumf %get3A_691, %max3A_672 : vector<16xf32>
      %max3A_694 = arith.maximumf %max3A_674, %min3A_693 : vector<16xf32>
      %min3A_695 = arith.minimumf %get3A_691, %max3A_674 : vector<16xf32>
      %max3A_696 = arith.maximumf %max3A_676, %min3A_695 : vector<16xf32>
      %min3A_697 = arith.minimumf %get3A_691, %max3A_676 : vector<16xf32>
      %max3A_698 = arith.maximumf %max3A_678, %min3A_697 : vector<16xf32>
      %min3A_699 = arith.minimumf %get3A_691, %max3A_678 : vector<16xf32>
      %max3A_700 = arith.maximumf %max3A_680, %min3A_699 : vector<16xf32>
      %min3A_701 = arith.minimumf %get3A_691, %max3A_680 : vector<16xf32>
      %max3A_702 = arith.maximumf %max3A_682, %min3A_701 : vector<16xf32>
      %min3A_703 = arith.minimumf %get3A_691, %max3A_682 : vector<16xf32>
      %max3A_704 = arith.maximumf %max3A_684, %min3A_703 : vector<16xf32>
      %min3A_705 = arith.minimumf %get3A_691, %max3A_684 : vector<16xf32>
      %max3A_706 = arith.maximumf %max3A_686, %min3A_705 : vector<16xf32>
      %get3A_707 = arith.constant 35 : i32
      %get3A_708 = arith.index_cast %get3A_707 : i32 to index
      %get3A_709 = arith.index_cast %mul3A_8 : i32 to index
      %get3A_710 = tpu.vector_load %arg4[%get3A_708, %get3A_709] {strides = array<i32>} : memref<64x256xf32, #tpu.memory_space<vmem>>, vector<1x16xf32>,
      %get3A_711 = vector.shape_cast %get3A_710 : vector<1x16xf32> to vector<16xf32>
      %max3A_712 = arith.maximumf %max3A_692, %get3A_711 : vector<16xf32>
      %min3A_713 = arith.minimumf %get3A_711, %max3A_692 : vector<16xf32>
      %max3A_714 = arith.maximumf %max3A_694, %min3A_713 : vector<16xf32>
      %min3A_715 = arith.minimumf %get3A_711, %max3A_694 : vector<16xf32>
      %max3A_716 = arith.maximumf %max3A_696, %min3A_715 : vector<16xf32>
      %min3A_717 = arith.minimumf %get3A_711, %max3A_696 : vector<16xf32>
      %max3A_718 = arith.maximumf %max3A_698, %min3A_717 : vector<16xf32>
      %min3A_719 = arith.minimumf %get3A_711, %max3A_698 : vector<16xf32>
      %max3A_720 = arith.maximumf %max3A_700, %min3A_719 : vector<16xf32>
      %min3A_721 = arith.minimumf %get3A_711, %max3A_700 : vector<16xf32>
      %max3A_722 = arith.maximumf %max3A_702, %min3A_721 : vector<16xf32>
      %min3A_723 = arith.minimumf %get3A_711, %max3A_702 : vector<16xf32>
      %max3A_724 = arith.maximumf %max3A_704, %min3A_723 : vector<16xf32>
      %min3A_725 = arith.minimumf %get3A_711, %max3A_704 : vector<16xf32>
      %max3A_726 = arith.maximumf %max3A_706, %min3A_725 : vector<16xf32>
      %get3A_727 = arith.constant 36 : i32
      %get3A_728 = arith.index_cast %get3A_727 : i32 to index
      %get3A_729 = arith.index_cast %mul3A_8 : i32 to index
      %get3A_730 = tpu.vector_load %arg4[%get3A_728, %get3A_729] {strides = array<i32>} : memref<64x256xf32, #tpu.memory_space<vmem>>, vector<1x16xf32>,
      %get3A_731 = vector.shape_cast %get3A_730 : vector<1x16xf32> to vector<16xf32>
      %max3A_732 = arith.maximumf %max3A_712, %get3A_731 : vector<16xf32>
      %min3A_733 = arith.minimumf %get3A_731, %max3A_712 : vector<16xf32>
      %max3A_734 = arith.maximumf %max3A_714, %min3A_733 : vector<16xf32>
      %min3A_735 = arith.minimumf %get3A_731, %max3A_714 : vector<16xf32>
      %max3A_736 = arith.maximumf %max3A_716, %min3A_735 : vector<16xf32>
      %min3A_737 = arith.minimumf %get3A_731, %max3A_716 : vector<16xf32>
      %max3A_738 = arith.maximumf %max3A_718, %min3A_737 : vector<16xf32>
      %min3A_739 = arith.minimumf %get3A_731, %max3A_718 : vector<16xf32>
      %max3A_740 = arith.maximumf %max3A_720, %min3A_739 : vector<16xf32>
      %min3A_741 = arith.minimumf %get3A_731, %max3A_720 : vector<16xf32>
      %max3A_742 = arith.maximumf %max3A_722, %min3A_741 : vector<16xf32>
      %min3A_743 = arith.minimumf %get3A_731, %max3A_722 : vector<16xf32>
      %max3A_744 = arith.maximumf %max3A_724, %min3A_743 : vector<16xf32>
      %min3A_745 = arith.minimumf %get3A_731, %max3A_724 : vector<16xf32>
      %max3A_746 = arith.maximumf %max3A_726, %min3A_745 : vector<16xf32>
      %get3A_747 = arith.constant 37 : i32
      %get3A_748 = arith.index_cast %get3A_747 : i32 to index
      %get3A_749 = arith.index_cast %mul3A_8 : i32 to index
      %get3A_750 = tpu.vector_load %arg4[%get3A_748, %get3A_749] {strides = array<i32>} : memref<64x256xf32, #tpu.memory_space<vmem>>, vector<1x16xf32>,
      %get3A_751 = vector.shape_cast %get3A_750 : vector<1x16xf32> to vector<16xf32>
      %max3A_752 = arith.maximumf %max3A_732, %get3A_751 : vector<16xf32>
      %min3A_753 = arith.minimumf %get3A_751, %max3A_732 : vector<16xf32>
      %max3A_754 = arith.maximumf %max3A_734, %min3A_753 : vector<16xf32>
      %min3A_755 = arith.minimumf %get3A_751, %max3A_734 : vector<16xf32>
      %max3A_756 = arith.maximumf %max3A_736, %min3A_755 : vector<16xf32>
      %min3A_757 = arith.minimumf %get3A_751, %max3A_736 : vector<16xf32>
      %max3A_758 = arith.maximumf %max3A_738, %min3A_757 : vector<16xf32>
      %min3A_759 = arith.minimumf %get3A_751, %max3A_738 : vector<16xf32>
      %max3A_760 = arith.maximumf %max3A_740, %min3A_759 : vector<16xf32>
      %min3A_761 = arith.minimumf %get3A_751, %max3A_740 : vector<16xf32>
      %max3A_762 = arith.maximumf %max3A_742, %min3A_761 : vector<16xf32>
      %min3A_763 = arith.minimumf %get3A_751, %max3A_742 : vector<16xf32>
      %max3A_764 = arith.maximumf %max3A_744, %min3A_763 : vector<16xf32>
      %min3A_765 = arith.minimumf %get3A_751, %max3A_744 : vector<16xf32>
      %max3A_766 = arith.maximumf %max3A_746, %min3A_765 : vector<16xf32>
      %get3A_767 = arith.constant 38 : i32
      %get3A_768 = arith.index_cast %get3A_767 : i32 to index
      %get3A_769 = arith.index_cast %mul3A_8 : i32 to index
      %get3A_770 = tpu.vector_load %arg4[%get3A_768, %get3A_769] {strides = array<i32>} : memref<64x256xf32, #tpu.memory_space<vmem>>, vector<1x16xf32>,
      %get3A_771 = vector.shape_cast %get3A_770 : vector<1x16xf32> to vector<16xf32>
      %max3A_772 = arith.maximumf %max3A_752, %get3A_771 : vector<16xf32>
      %min3A_773 = arith.minimumf %get3A_771, %max3A_752 : vector<16xf32>
      %max3A_774 = arith.maximumf %max3A_754, %min3A_773 : vector<16xf32>
      %min3A_775 = arith.minimumf %get3A_771, %max3A_754 : vector<16xf32>
      %max3A_776 = arith.maximumf %max3A_756, %min3A_775 : vector<16xf32>
      %min3A_777 = arith.minimumf %get3A_771, %max3A_756 : vector<16xf32>
      %max3A_778 = arith.maximumf %max3A_758, %min3A_777 : vector<16xf32>
      %min3A_779 = arith.minimumf %get3A_771, %max3A_758 : vector<16xf32>
      %max3A_780 = arith.maximumf %max3A_760, %min3A_779 : vector<16xf32>
      %min3A_781 = arith.minimumf %get3A_771, %max3A_760 : vector<16xf32>
      %max3A_782 = arith.maximumf %max3A_762, %min3A_781 : vector<16xf32>
      %min3A_783 = arith.minimumf %get3A_771, %max3A_762 : vector<16xf32>
      %max3A_784 = arith.maximumf %max3A_764, %min3A_783 : vector<16xf32>
      %min3A_785 = arith.minimumf %get3A_771, %max3A_764 : vector<16xf32>
      %max3A_786 = arith.maximumf %max3A_766, %min3A_785 : vector<16xf32>
      %get3A_787 = arith.constant 39 : i32
      %get3A_788 = arith.index_cast %get3A_787 : i32 to index
      %get3A_789 = arith.index_cast %mul3A_8 : i32 to index
      %get3A_790 = tpu.vector_load %arg4[%get3A_788, %get3A_789] {strides = array<i32>} : memref<64x256xf32, #tpu.memory_space<vmem>>, vector<1x16xf32>,
      %get3A_791 = vector.shape_cast %get3A_790 : vector<1x16xf32> to vector<16xf32>
      %max3A_792 = arith.maximumf %max3A_772, %get3A_791 : vector<16xf32>
      %min3A_793 = arith.minimumf %get3A_791, %max3A_772 : vector<16xf32>
      %max3A_794 = arith.maximumf %max3A_774, %min3A_793 : vector<16xf32>
      %min3A_795 = arith.minimumf %get3A_791, %max3A_774 : vector<16xf32>
      %max3A_796 = arith.maximumf %max3A_776, %min3A_795 : vector<16xf32>
      %min3A_797 = arith.minimumf %get3A_791, %max3A_776 : vector<16xf32>
      %max3A_798 = arith.maximumf %max3A_778, %min3A_797 : vector<16xf32>
      %min3A_799 = arith.minimumf %get3A_791, %max3A_778 : vector<16xf32>
      %max3A_800 = arith.maximumf %max3A_780, %min3A_799 : vector<16xf32>
      %min3A_801 = arith.minimumf %get3A_791, %max3A_780 : vector<16xf32>
      %max3A_802 = arith.maximumf %max3A_782, %min3A_801 : vector<16xf32>
      %min3A_803 = arith.minimumf %get3A_791, %max3A_782 : vector<16xf32>
      %max3A_804 = arith.maximumf %max3A_784, %min3A_803 : vector<16xf32>
      %min3A_805 = arith.minimumf %get3A_791, %max3A_784 : vector<16xf32>
      %max3A_806 = arith.maximumf %max3A_786, %min3A_805 : vector<16xf32>
      %get3A_807 = arith.constant 40 : i32
      %get3A_808 = arith.index_cast %get3A_807 : i32 to index
      %get3A_809 = arith.index_cast %mul3A_8 : i32 to index
      %get3A_810 = tpu.vector_load %arg4[%get3A_808, %get3A_809] {strides = array<i32>} : memref<64x256xf32, #tpu.memory_space<vmem>>, vector<1x16xf32>,
      %get3A_811 = vector.shape_cast %get3A_810 : vector<1x16xf32> to vector<16xf32>
      %max3A_812 = arith.maximumf %max3A_792, %get3A_811 : vector<16xf32>
      %min3A_813 = arith.minimumf %get3A_811, %max3A_792 : vector<16xf32>
      %max3A_814 = arith.maximumf %max3A_794, %min3A_813 : vector<16xf32>
      %min3A_815 = arith.minimumf %get3A_811, %max3A_794 : vector<16xf32>
      %max3A_816 = arith.maximumf %max3A_796, %min3A_815 : vector<16xf32>
      %min3A_817 = arith.minimumf %get3A_811, %max3A_796 : vector<16xf32>
      %max3A_818 = arith.maximumf %max3A_798, %min3A_817 : vector<16xf32>
      %min3A_819 = arith.minimumf %get3A_811, %max3A_798 : vector<16xf32>
      %max3A_820 = arith.maximumf %max3A_800, %min3A_819 : vector<16xf32>
      %min3A_821 = arith.minimumf %get3A_811, %max3A_800 : vector<16xf32>
      %max3A_822 = arith.maximumf %max3A_802, %min3A_821 : vector<16xf32>
      %min3A_823 = arith.minimumf %get3A_811, %max3A_802 : vector<16xf32>
      %max3A_824 = arith.maximumf %max3A_804, %min3A_823 : vector<16xf32>
      %min3A_825 = arith.minimumf %get3A_811, %max3A_804 : vector<16xf32>
      %max3A_826 = arith.maximumf %max3A_806, %min3A_825 : vector<16xf32>
      %get3A_827 = arith.constant 41 : i32
      %get3A_828 = arith.index_cast %get3A_827 : i32 to index
      %get3A_829 = arith.index_cast %mul3A_8 : i32 to index
      %get3A_830 = tpu.vector_load %arg4[%get3A_828, %get3A_829] {strides = array<i32>} : memref<64x256xf32, #tpu.memory_space<vmem>>, vector<1x16xf32>,
      %get3A_831 = vector.shape_cast %get3A_830 : vector<1x16xf32> to vector<16xf32>
      %max3A_832 = arith.maximumf %max3A_812, %get3A_831 : vector<16xf32>
      %min3A_833 = arith.minimumf %get3A_831, %max3A_812 : vector<16xf32>
      %max3A_834 = arith.maximumf %max3A_814, %min3A_833 : vector<16xf32>
      %min3A_835 = arith.minimumf %get3A_831, %max3A_814 : vector<16xf32>
      %max3A_836 = arith.maximumf %max3A_816, %min3A_835 : vector<16xf32>
      %min3A_837 = arith.minimumf %get3A_831, %max3A_816 : vector<16xf32>
      %max3A_838 = arith.maximumf %max3A_818, %min3A_837 : vector<16xf32>
      %min3A_839 = arith.minimumf %get3A_831, %max3A_818 : vector<16xf32>
      %max3A_840 = arith.maximumf %max3A_820, %min3A_839 : vector<16xf32>
      %min3A_841 = arith.minimumf %get3A_831, %max3A_820 : vector<16xf32>
      %max3A_842 = arith.maximumf %max3A_822, %min3A_841 : vector<16xf32>
      %min3A_843 = arith.minimumf %get3A_831, %max3A_822 : vector<16xf32>
      %max3A_844 = arith.maximumf %max3A_824, %min3A_843 : vector<16xf32>
      %min3A_845 = arith.minimumf %get3A_831, %max3A_824 : vector<16xf32>
      %max3A_846 = arith.maximumf %max3A_826, %min3A_845 : vector<16xf32>
      %get3A_847 = arith.constant 42 : i32
      %get3A_848 = arith.index_cast %get3A_847 : i32 to index
      %get3A_849 = arith.index_cast %mul3A_8 : i32 to index
      %get3A_850 = tpu.vector_load %arg4[%get3A_848, %get3A_849] {strides = array<i32>} : memref<64x256xf32, #tpu.memory_space<vmem>>, vector<1x16xf32>,
      %get3A_851 = vector.shape_cast %get3A_850 : vector<1x16xf32> to vector<16xf32>
      %max3A_852 = arith.maximumf %max3A_832, %get3A_851 : vector<16xf32>
      %min3A_853 = arith.minimumf %get3A_851, %max3A_832 : vector<16xf32>
      %max3A_854 = arith.maximumf %max3A_834, %min3A_853 : vector<16xf32>
      %min3A_855 = arith.minimumf %get3A_851, %max3A_834 : vector<16xf32>
      %max3A_856 = arith.maximumf %max3A_836, %min3A_855 : vector<16xf32>
      %min3A_857 = arith.minimumf %get3A_851, %max3A_836 : vector<16xf32>
      %max3A_858 = arith.maximumf %max3A_838, %min3A_857 : vector<16xf32>
      %min3A_859 = arith.minimumf %get3A_851, %max3A_838 : vector<16xf32>
      %max3A_860 = arith.maximumf %max3A_840, %min3A_859 : vector<16xf32>
      %min3A_861 = arith.minimumf %get3A_851, %max3A_840 : vector<16xf32>
      %max3A_862 = arith.maximumf %max3A_842, %min3A_861 : vector<16xf32>
      %min3A_863 = arith.minimumf %get3A_851, %max3A_842 : vector<16xf32>
      %max3A_864 = arith.maximumf %max3A_844, %min3A_863 : vector<16xf32>
      %min3A_865 = arith.minimumf %get3A_851, %max3A_844 : vector<16xf32>
      %max3A_866 = arith.maximumf %max3A_846, %min3A_865 : vector<16xf32>
      %get3A_867 = arith.constant 43 : i32
      %get3A_868 = arith.index_cast %get3A_867 : i32 to index
      %get3A_869 = arith.index_cast %mul3A_8 : i32 to index
      %get3A_870 = tpu.vector_load %arg4[%get3A_868, %get3A_869] {strides = array<i32>} : memref<64x256xf32, #tpu.memory_space<vmem>>, vector<1x16xf32>,
      %get3A_871 = vector.shape_cast %get3A_870 : vector<1x16xf32> to vector<16xf32>
      %max3A_872 = arith.maximumf %max3A_852, %get3A_871 : vector<16xf32>
      %min3A_873 = arith.minimumf %get3A_871, %max3A_852 : vector<16xf32>
      %max3A_874 = arith.maximumf %max3A_854, %min3A_873 : vector<16xf32>
      %min3A_875 = arith.minimumf %get3A_871, %max3A_854 : vector<16xf32>
      %max3A_876 = arith.maximumf %max3A_856, %min3A_875 : vector<16xf32>
      %min3A_877 = arith.minimumf %get3A_871, %max3A_856 : vector<16xf32>
      %max3A_878 = arith.maximumf %max3A_858, %min3A_877 : vector<16xf32>
      %min3A_879 = arith.minimumf %get3A_871, %max3A_858 : vector<16xf32>
      %max3A_880 = arith.maximumf %max3A_860, %min3A_879 : vector<16xf32>
      %min3A_881 = arith.minimumf %get3A_871, %max3A_860 : vector<16xf32>
      %max3A_882 = arith.maximumf %max3A_862, %min3A_881 : vector<16xf32>
      %min3A_883 = arith.minimumf %get3A_871, %max3A_862 : vector<16xf32>
      %max3A_884 = arith.maximumf %max3A_864, %min3A_883 : vector<16xf32>
      %min3A_885 = arith.minimumf %get3A_871, %max3A_864 : vector<16xf32>
      %max3A_886 = arith.maximumf %max3A_866, %min3A_885 : vector<16xf32>
      %get3A_887 = arith.constant 44 : i32
      %get3A_888 = arith.index_cast %get3A_887 : i32 to index
      %get3A_889 = arith.index_cast %mul3A_8 : i32 to index
      %get3A_890 = tpu.vector_load %arg4[%get3A_888, %get3A_889] {strides = array<i32>} : memref<64x256xf32, #tpu.memory_space<vmem>>, vector<1x16xf32>,
      %get3A_891 = vector.shape_cast %get3A_890 : vector<1x16xf32> to vector<16xf32>
      %max3A_892 = arith.maximumf %max3A_872, %get3A_891 : vector<16xf32>
      %min3A_893 = arith.minimumf %get3A_891, %max3A_872 : vector<16xf32>
      %max3A_894 = arith.maximumf %max3A_874, %min3A_893 : vector<16xf32>
      %min3A_895 = arith.minimumf %get3A_891, %max3A_874 : vector<16xf32>
      %max3A_896 = arith.maximumf %max3A_876, %min3A_895 : vector<16xf32>
      %min3A_897 = arith.minimumf %get3A_891, %max3A_876 : vector<16xf32>
      %max3A_898 = arith.maximumf %max3A_878, %min3A_897 : vector<16xf32>
      %min3A_899 = arith.minimumf %get3A_891, %max3A_878 : vector<16xf32>
      %max3A_900 = arith.maximumf %max3A_880, %min3A_899 : vector<16xf32>
      %min3A_901 = arith.minimumf %get3A_891, %max3A_880 : vector<16xf32>
      %max3A_902 = arith.maximumf %max3A_882, %min3A_901 : vector<16xf32>
      %min3A_903 = arith.minimumf %get3A_891, %max3A_882 : vector<16xf32>
      %max3A_904 = arith.maximumf %max3A_884, %min3A_903 : vector<16xf32>
      %min3A_905 = arith.minimumf %get3A_891, %max3A_884 : vector<16xf32>
      %max3A_906 = arith.maximumf %max3A_886, %min3A_905 : vector<16xf32>
      %get3A_907 = arith.constant 45 : i32
      %get3A_908 = arith.index_cast %get3A_907 : i32 to index
      %get3A_909 = arith.index_cast %mul3A_8 : i32 to index
      %get3A_910 = tpu.vector_load %arg4[%get3A_908, %get3A_909] {strides = array<i32>} : memref<64x256xf32, #tpu.memory_space<vmem>>, vector<1x16xf32>,
      %get3A_911 = vector.shape_cast %get3A_910 : vector<1x16xf32> to vector<16xf32>
      %max3A_912 = arith.maximumf %max3A_892, %get3A_911 : vector<16xf32>
      %min3A_913 = arith.minimumf %get3A_911, %max3A_892 : vector<16xf32>
      %max3A_914 = arith.maximumf %max3A_894, %min3A_913 : vector<16xf32>
      %min3A_915 = arith.minimumf %get3A_911, %max3A_894 : vector<16xf32>
      %max3A_916 = arith.maximumf %max3A_896, %min3A_915 : vector<16xf32>
      %min3A_917 = arith.minimumf %get3A_911, %max3A_896 : vector<16xf32>
      %max3A_918 = arith.maximumf %max3A_898, %min3A_917 : vector<16xf32>
      %min3A_919 = arith.minimumf %get3A_911, %max3A_898 : vector<16xf32>
      %max3A_920 = arith.maximumf %max3A_900, %min3A_919 : vector<16xf32>
      %min3A_921 = arith.minimumf %get3A_911, %max3A_900 : vector<16xf32>
      %max3A_922 = arith.maximumf %max3A_902, %min3A_921 : vector<16xf32>
      %min3A_923 = arith.minimumf %get3A_911, %max3A_902 : vector<16xf32>
      %max3A_924 = arith.maximumf %max3A_904, %min3A_923 : vector<16xf32>
      %min3A_925 = arith.minimumf %get3A_911, %max3A_904 : vector<16xf32>
      %max3A_926 = arith.maximumf %max3A_906, %min3A_925 : vector<16xf32>
      %get3A_927 = arith.constant 46 : i32
      %get3A_928 = arith.index_cast %get3A_927 : i32 to index
      %get3A_929 = arith.index_cast %mul3A_8 : i32 to index
      %get3A_930 = tpu.vector_load %arg4[%get3A_928, %get3A_929] {strides = array<i32>} : memref<64x256xf32, #tpu.memory_space<vmem>>, vector<1x16xf32>,
      %get3A_931 = vector.shape_cast %get3A_930 : vector<1x16xf32> to vector<16xf32>
      %max3A_932 = arith.maximumf %max3A_912, %get3A_931 : vector<16xf32>
      %min3A_933 = arith.minimumf %get3A_931, %max3A_912 : vector<16xf32>
      %max3A_934 = arith.maximumf %max3A_914, %min3A_933 : vector<16xf32>
      %min3A_935 = arith.minimumf %get3A_931, %max3A_914 : vector<16xf32>
      %max3A_936 = arith.maximumf %max3A_916, %min3A_935 : vector<16xf32>
      %min3A_937 = arith.minimumf %get3A_931, %max3A_916 : vector<16xf32>
      %max3A_938 = arith.maximumf %max3A_918, %min3A_937 : vector<16xf32>
      %min3A_939 = arith.minimumf %get3A_931, %max3A_918 : vector<16xf32>
      %max3A_940 = arith.maximumf %max3A_920, %min3A_939 : vector<16xf32>
      %min3A_941 = arith.minimumf %get3A_931, %max3A_920 : vector<16xf32>
      %max3A_942 = arith.maximumf %max3A_922, %min3A_941 : vector<16xf32>
      %min3A_943 = arith.minimumf %get3A_931, %max3A_922 : vector<16xf32>
      %max3A_944 = arith.maximumf %max3A_924, %min3A_943 : vector<16xf32>
      %min3A_945 = arith.minimumf %get3A_931, %max3A_924 : vector<16xf32>
      %max3A_946 = arith.maximumf %max3A_926, %min3A_945 : vector<16xf32>
      %get3A_947 = arith.constant 47 : i32
      %get3A_948 = arith.index_cast %get3A_947 : i32 to index
      %get3A_949 = arith.index_cast %mul3A_8 : i32 to index
      %get3A_950 = tpu.vector_load %arg4[%get3A_948, %get3A_949] {strides = array<i32>} : memref<64x256xf32, #tpu.memory_space<vmem>>, vector<1x16xf32>,
      %get3A_951 = vector.shape_cast %get3A_950 : vector<1x16xf32> to vector<16xf32>
      %max3A_952 = arith.maximumf %max3A_932, %get3A_951 : vector<16xf32>
      %min3A_953 = arith.minimumf %get3A_951, %max3A_932 : vector<16xf32>
      %max3A_954 = arith.maximumf %max3A_934, %min3A_953 : vector<16xf32>
      %min3A_955 = arith.minimumf %get3A_951, %max3A_934 : vector<16xf32>
      %max3A_956 = arith.maximumf %max3A_936, %min3A_955 : vector<16xf32>
      %min3A_957 = arith.minimumf %get3A_951, %max3A_936 : vector<16xf32>
      %max3A_958 = arith.maximumf %max3A_938, %min3A_957 : vector<16xf32>
      %min3A_959 = arith.minimumf %get3A_951, %max3A_938 : vector<16xf32>
      %max3A_960 = arith.maximumf %max3A_940, %min3A_959 : vector<16xf32>
      %min3A_961 = arith.minimumf %get3A_951, %max3A_940 : vector<16xf32>
      %max3A_962 = arith.maximumf %max3A_942, %min3A_961 : vector<16xf32>
      %min3A_963 = arith.minimumf %get3A_951, %max3A_942 : vector<16xf32>
      %max3A_964 = arith.maximumf %max3A_944, %min3A_963 : vector<16xf32>
      %min3A_965 = arith.minimumf %get3A_951, %max3A_944 : vector<16xf32>
      %max3A_966 = arith.maximumf %max3A_946, %min3A_965 : vector<16xf32>
      %get3A_967 = arith.constant 48 : i32
      %get3A_968 = arith.index_cast %get3A_967 : i32 to index
      %get3A_969 = arith.index_cast %mul3A_8 : i32 to index
      %get3A_970 = tpu.vector_load %arg4[%get3A_968, %get3A_969] {strides = array<i32>} : memref<64x256xf32, #tpu.memory_space<vmem>>, vector<1x16xf32>,
      %get3A_971 = vector.shape_cast %get3A_970 : vector<1x16xf32> to vector<16xf32>
      %max3A_972 = arith.maximumf %max3A_952, %get3A_971 : vector<16xf32>
      %min3A_973 = arith.minimumf %get3A_971, %max3A_952 : vector<16xf32>
      %max3A_974 = arith.maximumf %max3A_954, %min3A_973 : vector<16xf32>
      %min3A_975 = arith.minimumf %get3A_971, %max3A_954 : vector<16xf32>
      %max3A_976 = arith.maximumf %max3A_956, %min3A_975 : vector<16xf32>
      %min3A_977 = arith.minimumf %get3A_971, %max3A_956 : vector<16xf32>
      %max3A_978 = arith.maximumf %max3A_958, %min3A_977 : vector<16xf32>
      %min3A_979 = arith.minimumf %get3A_971, %max3A_958 : vector<16xf32>
      %max3A_980 = arith.maximumf %max3A_960, %min3A_979 : vector<16xf32>
      %min3A_981 = arith.minimumf %get3A_971, %max3A_960 : vector<16xf32>
      %max3A_982 = arith.maximumf %max3A_962, %min3A_981 : vector<16xf32>
      %min3A_983 = arith.minimumf %get3A_971, %max3A_962 : vector<16xf32>
      %max3A_984 = arith.maximumf %max3A_964, %min3A_983 : vector<16xf32>
      %min3A_985 = arith.minimumf %get3A_971, %max3A_964 : vector<16xf32>
      %max3A_986 = arith.maximumf %max3A_966, %min3A_985 : vector<16xf32>
      %get3A_987 = arith.constant 49 : i32
      %get3A_988 = arith.index_cast %get3A_987 : i32 to index
      %get3A_989 = arith.index_cast %mul3A_8 : i32 to index
      %get3A_990 = tpu.vector_load %arg4[%get3A_988, %get3A_989] {strides = array<i32>} : memref<64x256xf32, #tpu.memory_space<vmem>>, vector<1x16xf32>,
      %get3A_991 = vector.shape_cast %get3A_990 : vector<1x16xf32> to vector<16xf32>
      %max3A_992 = arith.maximumf %max3A_972, %get3A_991 : vector<16xf32>
      %min3A_993 = arith.minimumf %get3A_991, %max3A_972 : vector<16xf32>
      %max3A_994 = arith.maximumf %max3A_974, %min3A_993 : vector<16xf32>
      %min3A_995 = arith.minimumf %get3A_991, %max3A_974 : vector<16xf32>
      %max3A_996 = arith.maximumf %max3A_976, %min3A_995 : vector<16xf32>
      %min3A_997 = arith.minimumf %get3A_991, %max3A_976 : vector<16xf32>
      %max3A_998 = arith.maximumf %max3A_978, %min3A_997 : vector<16xf32>
      %min3A_999 = arith.minimumf %get3A_991, %max3A_978 : vector<16xf32>
      %max3A_1000 = arith.maximumf %max3A_980, %min3A_999 : vector<16xf32>
      %min3A_1001 = arith.minimumf %get3A_991, %max3A_980 : vector<16xf32>
      %max3A_1002 = arith.maximumf %max3A_982, %min3A_1001 : vector<16xf32>
      %min3A_1003 = arith.minimumf %get3A_991, %max3A_982 : vector<16xf32>
      %max3A_1004 = arith.maximumf %max3A_984, %min3A_1003 : vector<16xf32>
      %min3A_1005 = arith.minimumf %get3A_991, %max3A_984 : vector<16xf32>
      %max3A_1006 = arith.maximumf %max3A_986, %min3A_1005 : vector<16xf32>
      %get3A_1007 = arith.constant 50 : i32
      %get3A_1008 = arith.index_cast %get3A_1007 : i32 to index
      %get3A_1009 = arith.index_cast %mul3A_8 : i32 to index
      %get3A_1010 = tpu.vector_load %arg4[%get3A_1008, %get3A_1009] {strides = array<i32>} : memref<64x256xf32, #tpu.memory_space<vmem>>, vector<1x16xf32>,
      %get3A_1011 = vector.shape_cast %get3A_1010 : vector<1x16xf32> to vector<16xf32>
      %max3A_1012 = arith.maximumf %max3A_992, %get3A_1011 : vector<16xf32>
      %min3A_1013 = arith.minimumf %get3A_1011, %max3A_992 : vector<16xf32>
      %max3A_1014 = arith.maximumf %max3A_994, %min3A_1013 : vector<16xf32>
      %min3A_1015 = arith.minimumf %get3A_1011, %max3A_994 : vector<16xf32>
      %max3A_1016 = arith.maximumf %max3A_996, %min3A_1015 : vector<16xf32>
      %min3A_1017 = arith.minimumf %get3A_1011, %max3A_996 : vector<16xf32>
      %max3A_1018 = arith.maximumf %max3A_998, %min3A_1017 : vector<16xf32>
      %min3A_1019 = arith.minimumf %get3A_1011, %max3A_998 : vector<16xf32>
      %max3A_1020 = arith.maximumf %max3A_1000, %min3A_1019 : vector<16xf32>
      %min3A_1021 = arith.minimumf %get3A_1011, %max3A_1000 : vector<16xf32>
      %max3A_1022 = arith.maximumf %max3A_1002, %min3A_1021 : vector<16xf32>
      %min3A_1023 = arith.minimumf %get3A_1011, %max3A_1002 : vector<16xf32>
      %max3A_1024 = arith.maximumf %max3A_1004, %min3A_1023 : vector<16xf32>
      %min3A_1025 = arith.minimumf %get3A_1011, %max3A_1004 : vector<16xf32>
      %max3A_1026 = arith.maximumf %max3A_1006, %min3A_1025 : vector<16xf32>
      %get3A_1027 = arith.constant 51 : i32
      %get3A_1028 = arith.index_cast %get3A_1027 : i32 to index
      %get3A_1029 = arith.index_cast %mul3A_8 : i32 to index
      %get3A_1030 = tpu.vector_load %arg4[%get3A_1028, %get3A_1029] {strides = array<i32>} : memref<64x256xf32, #tpu.memory_space<vmem>>, vector<1x16xf32>,
      %get3A_1031 = vector.shape_cast %get3A_1030 : vector<1x16xf32> to vector<16xf32>
      %max3A_1032 = arith.maximumf %max3A_1012, %get3A_1031 : vector<16xf32>
      %min3A_1033 = arith.minimumf %get3A_1031, %max3A_1012 : vector<16xf32>
      %max3A_1034 = arith.maximumf %max3A_1014, %min3A_1033 : vector<16xf32>
      %min3A_1035 = arith.minimumf %get3A_1031, %max3A_1014 : vector<16xf32>
      %max3A_1036 = arith.maximumf %max3A_1016, %min3A_1035 : vector<16xf32>
      %min3A_1037 = arith.minimumf %get3A_1031, %max3A_1016 : vector<16xf32>
      %max3A_1038 = arith.maximumf %max3A_1018, %min3A_1037 : vector<16xf32>
      %min3A_1039 = arith.minimumf %get3A_1031, %max3A_1018 : vector<16xf32>
      %max3A_1040 = arith.maximumf %max3A_1020, %min3A_1039 : vector<16xf32>
      %min3A_1041 = arith.minimumf %get3A_1031, %max3A_1020 : vector<16xf32>
      %max3A_1042 = arith.maximumf %max3A_1022, %min3A_1041 : vector<16xf32>
      %min3A_1043 = arith.minimumf %get3A_1031, %max3A_1022 : vector<16xf32>
      %max3A_1044 = arith.maximumf %max3A_1024, %min3A_1043 : vector<16xf32>
      %min3A_1045 = arith.minimumf %get3A_1031, %max3A_1024 : vector<16xf32>
      %max3A_1046 = arith.maximumf %max3A_1026, %min3A_1045 : vector<16xf32>
      %get3A_1047 = arith.constant 52 : i32
      %get3A_1048 = arith.index_cast %get3A_1047 : i32 to index
      %get3A_1049 = arith.index_cast %mul3A_8 : i32 to index
      %get3A_1050 = tpu.vector_load %arg4[%get3A_1048, %get3A_1049] {strides = array<i32>} : memref<64x256xf32, #tpu.memory_space<vmem>>, vector<1x16xf32>,
      %get3A_1051 = vector.shape_cast %get3A_1050 : vector<1x16xf32> to vector<16xf32>
      %max3A_1052 = arith.maximumf %max3A_1032, %get3A_1051 : vector<16xf32>
      %min3A_1053 = arith.minimumf %get3A_1051, %max3A_1032 : vector<16xf32>
      %max3A_1054 = arith.maximumf %max3A_1034, %min3A_1053 : vector<16xf32>
      %min3A_1055 = arith.minimumf %get3A_1051, %max3A_1034 : vector<16xf32>
      %max3A_1056 = arith.maximumf %max3A_1036, %min3A_1055 : vector<16xf32>
      %min3A_1057 = arith.minimumf %get3A_1051, %max3A_1036 : vector<16xf32>
      %max3A_1058 = arith.maximumf %max3A_1038, %min3A_1057 : vector<16xf32>
      %min3A_1059 = arith.minimumf %get3A_1051, %max3A_1038 : vector<16xf32>
      %max3A_1060 = arith.maximumf %max3A_1040, %min3A_1059 : vector<16xf32>
      %min3A_1061 = arith.minimumf %get3A_1051, %max3A_1040 : vector<16xf32>
      %max3A_1062 = arith.maximumf %max3A_1042, %min3A_1061 : vector<16xf32>
      %min3A_1063 = arith.minimumf %get3A_1051, %max3A_1042 : vector<16xf32>
      %max3A_1064 = arith.maximumf %max3A_1044, %min3A_1063 : vector<16xf32>
      %min3A_1065 = arith.minimumf %get3A_1051, %max3A_1044 : vector<16xf32>
      %max3A_1066 = arith.maximumf %max3A_1046, %min3A_1065 : vector<16xf32>
      %get3A_1067 = arith.constant 53 : i32
      %get3A_1068 = arith.index_cast %get3A_1067 : i32 to index
      %get3A_1069 = arith.index_cast %mul3A_8 : i32 to index
      %get3A_1070 = tpu.vector_load %arg4[%get3A_1068, %get3A_1069] {strides = array<i32>} : memref<64x256xf32, #tpu.memory_space<vmem>>, vector<1x16xf32>,
      %get3A_1071 = vector.shape_cast %get3A_1070 : vector<1x16xf32> to vector<16xf32>
      %max3A_1072 = arith.maximumf %max3A_1052, %get3A_1071 : vector<16xf32>
      %min3A_1073 = arith.minimumf %get3A_1071, %max3A_1052 : vector<16xf32>
      %max3A_1074 = arith.maximumf %max3A_1054, %min3A_1073 : vector<16xf32>
      %min3A_1075 = arith.minimumf %get3A_1071, %max3A_1054 : vector<16xf32>
      %max3A_1076 = arith.maximumf %max3A_1056, %min3A_1075 : vector<16xf32>
      %min3A_1077 = arith.minimumf %get3A_1071, %max3A_1056 : vector<16xf32>
      %max3A_1078 = arith.maximumf %max3A_1058, %min3A_1077 : vector<16xf32>
      %min3A_1079 = arith.minimumf %get3A_1071, %max3A_1058 : vector<16xf32>
      %max3A_1080 = arith.maximumf %max3A_1060, %min3A_1079 : vector<16xf32>
      %min3A_1081 = arith.minimumf %get3A_1071, %max3A_1060 : vector<16xf32>
      %max3A_1082 = arith.maximumf %max3A_1062, %min3A_1081 : vector<16xf32>
      %min3A_1083 = arith.minimumf %get3A_1071, %max3A_1062 : vector<16xf32>
      %max3A_1084 = arith.maximumf %max3A_1064, %min3A_1083 : vector<16xf32>
      %min3A_1085 = arith.minimumf %get3A_1071, %max3A_1064 : vector<16xf32>
      %max3A_1086 = arith.maximumf %max3A_1066, %min3A_1085 : vector<16xf32>
      %get3A_1087 = arith.constant 54 : i32
      %get3A_1088 = arith.index_cast %get3A_1087 : i32 to index
      %get3A_1089 = arith.index_cast %mul3A_8 : i32 to index
      %get3A_1090 = tpu.vector_load %arg4[%get3A_1088, %get3A_1089] {strides = array<i32>} : memref<64x256xf32, #tpu.memory_space<vmem>>, vector<1x16xf32>,
      %get3A_1091 = vector.shape_cast %get3A_1090 : vector<1x16xf32> to vector<16xf32>
      %max3A_1092 = arith.maximumf %max3A_1072, %get3A_1091 : vector<16xf32>
      %min3A_1093 = arith.minimumf %get3A_1091, %max3A_1072 : vector<16xf32>
      %max3A_1094 = arith.maximumf %max3A_1074, %min3A_1093 : vector<16xf32>
      %min3A_1095 = arith.minimumf %get3A_1091, %max3A_1074 : vector<16xf32>
      %max3A_1096 = arith.maximumf %max3A_1076, %min3A_1095 : vector<16xf32>
      %min3A_1097 = arith.minimumf %get3A_1091, %max3A_1076 : vector<16xf32>
      %max3A_1098 = arith.maximumf %max3A_1078, %min3A_1097 : vector<16xf32>
      %min3A_1099 = arith.minimumf %get3A_1091, %max3A_1078 : vector<16xf32>
      %max3A_1100 = arith.maximumf %max3A_1080, %min3A_1099 : vector<16xf32>
      %min3A_1101 = arith.minimumf %get3A_1091, %max3A_1080 : vector<16xf32>
      %max3A_1102 = arith.maximumf %max3A_1082, %min3A_1101 : vector<16xf32>
      %min3A_1103 = arith.minimumf %get3A_1091, %max3A_1082 : vector<16xf32>
      %max3A_1104 = arith.maximumf %max3A_1084, %min3A_1103 : vector<16xf32>
      %min3A_1105 = arith.minimumf %get3A_1091, %max3A_1084 : vector<16xf32>
      %max3A_1106 = arith.maximumf %max3A_1086, %min3A_1105 : vector<16xf32>
      %get3A_1107 = arith.constant 55 : i32
      %get3A_1108 = arith.index_cast %get3A_1107 : i32 to index
      %get3A_1109 = arith.index_cast %mul3A_8 : i32 to index
      %get3A_1110 = tpu.vector_load %arg4[%get3A_1108, %get3A_1109] {strides = array<i32>} : memref<64x256xf32, #tpu.memory_space<vmem>>, vector<1x16xf32>,
      %get3A_1111 = vector.shape_cast %get3A_1110 : vector<1x16xf32> to vector<16xf32>
      %max3A_1112 = arith.maximumf %max3A_1092, %get3A_1111 : vector<16xf32>
      %min3A_1113 = arith.minimumf %get3A_1111, %max3A_1092 : vector<16xf32>
      %max3A_1114 = arith.maximumf %max3A_1094, %min3A_1113 : vector<16xf32>
      %min3A_1115 = arith.minimumf %get3A_1111, %max3A_1094 : vector<16xf32>
      %max3A_1116 = arith.maximumf %max3A_1096, %min3A_1115 : vector<16xf32>
      %min3A_1117 = arith.minimumf %get3A_1111, %max3A_1096 : vector<16xf32>
      %max3A_1118 = arith.maximumf %max3A_1098, %min3A_1117 : vector<16xf32>
      %min3A_1119 = arith.minimumf %get3A_1111, %max3A_1098 : vector<16xf32>
      %max3A_1120 = arith.maximumf %max3A_1100, %min3A_1119 : vector<16xf32>
      %min3A_1121 = arith.minimumf %get3A_1111, %max3A_1100 : vector<16xf32>
      %max3A_1122 = arith.maximumf %max3A_1102, %min3A_1121 : vector<16xf32>
      %min3A_1123 = arith.minimumf %get3A_1111, %max3A_1102 : vector<16xf32>
      %max3A_1124 = arith.maximumf %max3A_1104, %min3A_1123 : vector<16xf32>
      %min3A_1125 = arith.minimumf %get3A_1111, %max3A_1104 : vector<16xf32>
      %max3A_1126 = arith.maximumf %max3A_1106, %min3A_1125 : vector<16xf32>
      %get3A_1127 = arith.constant 56 : i32
      %get3A_1128 = arith.index_cast %get3A_1127 : i32 to index
      %get3A_1129 = arith.index_cast %mul3A_8 : i32 to index
      %get3A_1130 = tpu.vector_load %arg4[%get3A_1128, %get3A_1129] {strides = array<i32>} : memref<64x256xf32, #tpu.memory_space<vmem>>, vector<1x16xf32>,
      %get3A_1131 = vector.shape_cast %get3A_1130 : vector<1x16xf32> to vector<16xf32>
      %max3A_1132 = arith.maximumf %max3A_1112, %get3A_1131 : vector<16xf32>
      %min3A_1133 = arith.minimumf %get3A_1131, %max3A_1112 : vector<16xf32>
      %max3A_1134 = arith.maximumf %max3A_1114, %min3A_1133 : vector<16xf32>
      %min3A_1135 = arith.minimumf %get3A_1131, %max3A_1114 : vector<16xf32>
      %max3A_1136 = arith.maximumf %max3A_1116, %min3A_1135 : vector<16xf32>
      %min3A_1137 = arith.minimumf %get3A_1131, %max3A_1116 : vector<16xf32>
      %max3A_1138 = arith.maximumf %max3A_1118, %min3A_1137 : vector<16xf32>
      %min3A_1139 = arith.minimumf %get3A_1131, %max3A_1118 : vector<16xf32>
      %max3A_1140 = arith.maximumf %max3A_1120, %min3A_1139 : vector<16xf32>
      %min3A_1141 = arith.minimumf %get3A_1131, %max3A_1120 : vector<16xf32>
      %max3A_1142 = arith.maximumf %max3A_1122, %min3A_1141 : vector<16xf32>
      %min3A_1143 = arith.minimumf %get3A_1131, %max3A_1122 : vector<16xf32>
      %max3A_1144 = arith.maximumf %max3A_1124, %min3A_1143 : vector<16xf32>
      %min3A_1145 = arith.minimumf %get3A_1131, %max3A_1124 : vector<16xf32>
      %max3A_1146 = arith.maximumf %max3A_1126, %min3A_1145 : vector<16xf32>
      %get3A_1147 = arith.constant 57 : i32
      %get3A_1148 = arith.index_cast %get3A_1147 : i32 to index
      %get3A_1149 = arith.index_cast %mul3A_8 : i32 to index
      %get3A_1150 = tpu.vector_load %arg4[%get3A_1148, %get3A_1149] {strides = array<i32>} : memref<64x256xf32, #tpu.memory_space<vmem>>, vector<1x16xf32>,
      %get3A_1151 = vector.shape_cast %get3A_1150 : vector<1x16xf32> to vector<16xf32>
      %max3A_1152 = arith.maximumf %max3A_1132, %get3A_1151 : vector<16xf32>
      %min3A_1153 = arith.minimumf %get3A_1151, %max3A_1132 : vector<16xf32>
      %max3A_1154 = arith.maximumf %max3A_1134, %min3A_1153 : vector<16xf32>
      %min3A_1155 = arith.minimumf %get3A_1151, %max3A_1134 : vector<16xf32>
      %max3A_1156 = arith.maximumf %max3A_1136, %min3A_1155 : vector<16xf32>
      %min3A_1157 = arith.minimumf %get3A_1151, %max3A_1136 : vector<16xf32>
      %max3A_1158 = arith.maximumf %max3A_1138, %min3A_1157 : vector<16xf32>
      %min3A_1159 = arith.minimumf %get3A_1151, %max3A_1138 : vector<16xf32>
      %max3A_1160 = arith.maximumf %max3A_1140, %min3A_1159 : vector<16xf32>
      %min3A_1161 = arith.minimumf %get3A_1151, %max3A_1140 : vector<16xf32>
      %max3A_1162 = arith.maximumf %max3A_1142, %min3A_1161 : vector<16xf32>
      %min3A_1163 = arith.minimumf %get3A_1151, %max3A_1142 : vector<16xf32>
      %max3A_1164 = arith.maximumf %max3A_1144, %min3A_1163 : vector<16xf32>
      %min3A_1165 = arith.minimumf %get3A_1151, %max3A_1144 : vector<16xf32>
      %max3A_1166 = arith.maximumf %max3A_1146, %min3A_1165 : vector<16xf32>
      %get3A_1167 = arith.constant 58 : i32
      %get3A_1168 = arith.index_cast %get3A_1167 : i32 to index
      %get3A_1169 = arith.index_cast %mul3A_8 : i32 to index
      %get3A_1170 = tpu.vector_load %arg4[%get3A_1168, %get3A_1169] {strides = array<i32>} : memref<64x256xf32, #tpu.memory_space<vmem>>, vector<1x16xf32>,
      %get3A_1171 = vector.shape_cast %get3A_1170 : vector<1x16xf32> to vector<16xf32>
      %max3A_1172 = arith.maximumf %max3A_1152, %get3A_1171 : vector<16xf32>
      %min3A_1173 = arith.minimumf %get3A_1171, %max3A_1152 : vector<16xf32>
      %max3A_1174 = arith.maximumf %max3A_1154, %min3A_1173 : vector<16xf32>
      %min3A_1175 = arith.minimumf %get3A_1171, %max3A_1154 : vector<16xf32>
      %max3A_1176 = arith.maximumf %max3A_1156, %min3A_1175 : vector<16xf32>
      %min3A_1177 = arith.minimumf %get3A_1171, %max3A_1156 : vector<16xf32>
      %max3A_1178 = arith.maximumf %max3A_1158, %min3A_1177 : vector<16xf32>
      %min3A_1179 = arith.minimumf %get3A_1171, %max3A_1158 : vector<16xf32>
      %max3A_1180 = arith.maximumf %max3A_1160, %min3A_1179 : vector<16xf32>
      %min3A_1181 = arith.minimumf %get3A_1171, %max3A_1160 : vector<16xf32>
      %max3A_1182 = arith.maximumf %max3A_1162, %min3A_1181 : vector<16xf32>
      %min3A_1183 = arith.minimumf %get3A_1171, %max3A_1162 : vector<16xf32>
      %max3A_1184 = arith.maximumf %max3A_1164, %min3A_1183 : vector<16xf32>
      %min3A_1185 = arith.minimumf %get3A_1171, %max3A_1164 : vector<16xf32>
      %max3A_1186 = arith.maximumf %max3A_1166, %min3A_1185 : vector<16xf32>
      %get3A_1187 = arith.constant 59 : i32
      %get3A_1188 = arith.index_cast %get3A_1187 : i32 to index
      %get3A_1189 = arith.index_cast %mul3A_8 : i32 to index
      %get3A_1190 = tpu.vector_load %arg4[%get3A_1188, %get3A_1189] {strides = array<i32>} : memref<64x256xf32, #tpu.memory_space<vmem>>, vector<1x16xf32>,
      %get3A_1191 = vector.shape_cast %get3A_1190 : vector<1x16xf32> to vector<16xf32>
      %max3A_1192 = arith.maximumf %max3A_1172, %get3A_1191 : vector<16xf32>
      %min3A_1193 = arith.minimumf %get3A_1191, %max3A_1172 : vector<16xf32>
      %max3A_1194 = arith.maximumf %max3A_1174, %min3A_1193 : vector<16xf32>
      %min3A_1195 = arith.minimumf %get3A_1191, %max3A_1174 : vector<16xf32>
      %max3A_1196 = arith.maximumf %max3A_1176, %min3A_1195 : vector<16xf32>
      %min3A_1197 = arith.minimumf %get3A_1191, %max3A_1176 : vector<16xf32>
      %max3A_1198 = arith.maximumf %max3A_1178, %min3A_1197 : vector<16xf32>
      %min3A_1199 = arith.minimumf %get3A_1191, %max3A_1178 : vector<16xf32>
      %max3A_1200 = arith.maximumf %max3A_1180, %min3A_1199 : vector<16xf32>
      %min3A_1201 = arith.minimumf %get3A_1191, %max3A_1180 : vector<16xf32>
      %max3A_1202 = arith.maximumf %max3A_1182, %min3A_1201 : vector<16xf32>
      %min3A_1203 = arith.minimumf %get3A_1191, %max3A_1182 : vector<16xf32>
      %max3A_1204 = arith.maximumf %max3A_1184, %min3A_1203 : vector<16xf32>
      %min3A_1205 = arith.minimumf %get3A_1191, %max3A_1184 : vector<16xf32>
      %max3A_1206 = arith.maximumf %max3A_1186, %min3A_1205 : vector<16xf32>
      %get3A_1207 = arith.constant 60 : i32
      %get3A_1208 = arith.index_cast %get3A_1207 : i32 to index
      %get3A_1209 = arith.index_cast %mul3A_8 : i32 to index
      %get3A_1210 = tpu.vector_load %arg4[%get3A_1208, %get3A_1209] {strides = array<i32>} : memref<64x256xf32, #tpu.memory_space<vmem>>, vector<1x16xf32>,
      %get3A_1211 = vector.shape_cast %get3A_1210 : vector<1x16xf32> to vector<16xf32>
      %max3A_1212 = arith.maximumf %max3A_1192, %get3A_1211 : vector<16xf32>
      %min3A_1213 = arith.minimumf %get3A_1211, %max3A_1192 : vector<16xf32>
      %max3A_1214 = arith.maximumf %max3A_1194, %min3A_1213 : vector<16xf32>
      %min3A_1215 = arith.minimumf %get3A_1211, %max3A_1194 : vector<16xf32>
      %max3A_1216 = arith.maximumf %max3A_1196, %min3A_1215 : vector<16xf32>
      %min3A_1217 = arith.minimumf %get3A_1211, %max3A_1196 : vector<16xf32>
      %max3A_1218 = arith.maximumf %max3A_1198, %min3A_1217 : vector<16xf32>
      %min3A_1219 = arith.minimumf %get3A_1211, %max3A_1198 : vector<16xf32>
      %max3A_1220 = arith.maximumf %max3A_1200, %min3A_1219 : vector<16xf32>
      %min3A_1221 = arith.minimumf %get3A_1211, %max3A_1200 : vector<16xf32>
      %max3A_1222 = arith.maximumf %max3A_1202, %min3A_1221 : vector<16xf32>
      %min3A_1223 = arith.minimumf %get3A_1211, %max3A_1202 : vector<16xf32>
      %max3A_1224 = arith.maximumf %max3A_1204, %min3A_1223 : vector<16xf32>
      %min3A_1225 = arith.minimumf %get3A_1211, %max3A_1204 : vector<16xf32>
      %max3A_1226 = arith.maximumf %max3A_1206, %min3A_1225 : vector<16xf32>
      %get3A_1227 = arith.constant 61 : i32
      %get3A_1228 = arith.index_cast %get3A_1227 : i32 to index
      %get3A_1229 = arith.index_cast %mul3A_8 : i32 to index
      %get3A_1230 = tpu.vector_load %arg4[%get3A_1228, %get3A_1229] {strides = array<i32>} : memref<64x256xf32, #tpu.memory_space<vmem>>, vector<1x16xf32>,
      %get3A_1231 = vector.shape_cast %get3A_1230 : vector<1x16xf32> to vector<16xf32>
      %max3A_1232 = arith.maximumf %max3A_1212, %get3A_1231 : vector<16xf32>
      %min3A_1233 = arith.minimumf %get3A_1231, %max3A_1212 : vector<16xf32>
      %max3A_1234 = arith.maximumf %max3A_1214, %min3A_1233 : vector<16xf32>
      %min3A_1235 = arith.minimumf %get3A_1231, %max3A_1214 : vector<16xf32>
      %max3A_1236 = arith.maximumf %max3A_1216, %min3A_1235 : vector<16xf32>
      %min3A_1237 = arith.minimumf %get3A_1231, %max3A_1216 : vector<16xf32>
      %max3A_1238 = arith.maximumf %max3A_1218, %min3A_1237 : vector<16xf32>
      %min3A_1239 = arith.minimumf %get3A_1231, %max3A_1218 : vector<16xf32>
      %max3A_1240 = arith.maximumf %max3A_1220, %min3A_1239 : vector<16xf32>
      %min3A_1241 = arith.minimumf %get3A_1231, %max3A_1220 : vector<16xf32>
      %max3A_1242 = arith.maximumf %max3A_1222, %min3A_1241 : vector<16xf32>
      %min3A_1243 = arith.minimumf %get3A_1231, %max3A_1222 : vector<16xf32>
      %max3A_1244 = arith.maximumf %max3A_1224, %min3A_1243 : vector<16xf32>
      %min3A_1245 = arith.minimumf %get3A_1231, %max3A_1224 : vector<16xf32>
      %max3A_1246 = arith.maximumf %max3A_1226, %min3A_1245 : vector<16xf32>
      %get3A_1247 = arith.constant 62 : i32
      %get3A_1248 = arith.index_cast %get3A_1247 : i32 to index
      %get3A_1249 = arith.index_cast %mul3A_8 : i32 to index
      %get3A_1250 = tpu.vector_load %arg4[%get3A_1248, %get3A_1249] {strides = array<i32>} : memref<64x256xf32, #tpu.memory_space<vmem>>, vector<1x16xf32>,
      %get3A_1251 = vector.shape_cast %get3A_1250 : vector<1x16xf32> to vector<16xf32>
      %max3A_1252 = arith.maximumf %max3A_1232, %get3A_1251 : vector<16xf32>
      %min3A_1253 = arith.minimumf %get3A_1251, %max3A_1232 : vector<16xf32>
      %max3A_1254 = arith.maximumf %max3A_1234, %min3A_1253 : vector<16xf32>
      %min3A_1255 = arith.minimumf %get3A_1251, %max3A_1234 : vector<16xf32>
      %max3A_1256 = arith.maximumf %max3A_1236, %min3A_1255 : vector<16xf32>
      %min3A_1257 = arith.minimumf %get3A_1251, %max3A_1236 : vector<16xf32>
      %max3A_1258 = arith.maximumf %max3A_1238, %min3A_1257 : vector<16xf32>
      %min3A_1259 = arith.minimumf %get3A_1251, %max3A_1238 : vector<16xf32>
      %max3A_1260 = arith.maximumf %max3A_1240, %min3A_1259 : vector<16xf32>
      %min3A_1261 = arith.minimumf %get3A_1251, %max3A_1240 : vector<16xf32>
      %max3A_1262 = arith.maximumf %max3A_1242, %min3A_1261 : vector<16xf32>
      %min3A_1263 = arith.minimumf %get3A_1251, %max3A_1242 : vector<16xf32>
      %max3A_1264 = arith.maximumf %max3A_1244, %min3A_1263 : vector<16xf32>
      %min3A_1265 = arith.minimumf %get3A_1251, %max3A_1244 : vector<16xf32>
      %max3A_1266 = arith.maximumf %max3A_1246, %min3A_1265 : vector<16xf32>
      %get3A_1267 = arith.constant 63 : i32
      %get3A_1268 = arith.index_cast %get3A_1267 : i32 to index
      %get3A_1269 = arith.index_cast %mul3A_8 : i32 to index
      %get3A_1270 = tpu.vector_load %arg4[%get3A_1268, %get3A_1269] {strides = array<i32>} : memref<64x256xf32, #tpu.memory_space<vmem>>, vector<1x16xf32>,
      %get3A_1271 = vector.shape_cast %get3A_1270 : vector<1x16xf32> to vector<16xf32>
      %max3A_1272 = arith.maximumf %max3A_1252, %get3A_1271 : vector<16xf32>
      %min3A_1273 = arith.minimumf %get3A_1271, %max3A_1252 : vector<16xf32>
      %max3A_1274 = arith.maximumf %max3A_1254, %min3A_1273 : vector<16xf32>
      %min3A_1275 = arith.minimumf %get3A_1271, %max3A_1254 : vector<16xf32>
      %max3A_1276 = arith.maximumf %max3A_1256, %min3A_1275 : vector<16xf32>
      %min3A_1277 = arith.minimumf %get3A_1271, %max3A_1256 : vector<16xf32>
      %max3A_1278 = arith.maximumf %max3A_1258, %min3A_1277 : vector<16xf32>
      %min3A_1279 = arith.minimumf %get3A_1271, %max3A_1258 : vector<16xf32>
      %max3A_1280 = arith.maximumf %max3A_1260, %min3A_1279 : vector<16xf32>
      %min3A_1281 = arith.minimumf %get3A_1271, %max3A_1260 : vector<16xf32>
      %max3A_1282 = arith.maximumf %max3A_1262, %min3A_1281 : vector<16xf32>
      %min3A_1283 = arith.minimumf %get3A_1271, %max3A_1262 : vector<16xf32>
      %max3A_1284 = arith.maximumf %max3A_1264, %min3A_1283 : vector<16xf32>
      %min3A_1285 = arith.minimumf %get3A_1271, %max3A_1264 : vector<16xf32>
      %max3A_1286 = arith.maximumf %max3A_1266, %min3A_1285 : vector<16xf32>
      %swap3A = arith.constant 0 : i32
      %swap3A_1287 = arith.index_cast %swap3A : i32 to index
      %swap3A_1288 = arith.index_cast %mul3A_8 : i32 to index
      %swap3A_1289 = tpu.vector_load %arg5[%swap3A_1287, %swap3A_1288] {strides = array<i32>} : memref<8x256xf32, #tpu.memory_space<vmem>>, vector<1x16xf32>,
      %swap3A_1290 = vector.shape_cast %swap3A_1289 : vector<1x16xf32> to vector<16xf32>
      %swap3A_1291 = vector.shape_cast %max3A_1272 : vector<16xf32> to vector<1x16xf32>
      tpu.vector_store %arg5[%swap3A_1287, %swap3A_1288], %swap3A_1291 {strides = array<i32>} : memref<8x256xf32, #tpu.memory_space<vmem>>, vector<1x16xf32>,
      %swap3A_1292 = arith.constant 1 : i32
      %swap3A_1293 = arith.index_cast %swap3A_1292 : i32 to index
      %swap3A_1294 = arith.index_cast %mul3A_8 : i32 to index
      %swap3A_1295 = tpu.vector_load %arg5[%swap3A_1293, %swap3A_1294] {strides = array<i32>} : memref<8x256xf32, #tpu.memory_space<vmem>>, vector<1x16xf32>,
      %swap3A_1296 = vector.shape_cast %swap3A_1295 : vector<1x16xf32> to vector<16xf32>
      %swap3A_1297 = vector.shape_cast %max3A_1274 : vector<16xf32> to vector<1x16xf32>
      tpu.vector_store %arg5[%swap3A_1293, %swap3A_1294], %swap3A_1297 {strides = array<i32>} : memref<8x256xf32, #tpu.memory_space<vmem>>, vector<1x16xf32>,
      %swap3A_1298 = arith.constant 2 : i32
      %swap3A_1299 = arith.index_cast %swap3A_1298 : i32 to index
      %swap3A_1300 = arith.index_cast %mul3A_8 : i32 to index
      %swap3A_1301 = tpu.vector_load %arg5[%swap3A_1299, %swap3A_1300] {strides = array<i32>} : memref<8x256xf32, #tpu.memory_space<vmem>>, vector<1x16xf32>,
      %swap3A_1302 = vector.shape_cast %swap3A_1301 : vector<1x16xf32> to vector<16xf32>
      %swap3A_1303 = vector.shape_cast %max3A_1276 : vector<16xf32> to vector<1x16xf32>
      tpu.vector_store %arg5[%swap3A_1299, %swap3A_1300], %swap3A_1303 {strides = array<i32>} : memref<8x256xf32, #tpu.memory_space<vmem>>, vector<1x16xf32>,
      %swap3A_1304 = arith.constant 3 : i32
      %swap3A_1305 = arith.index_cast %swap3A_1304 : i32 to index
      %swap3A_1306 = arith.index_cast %mul3A_8 : i32 to index
      %swap3A_1307 = tpu.vector_load %arg5[%swap3A_1305, %swap3A_1306] {strides = array<i32>} : memref<8x256xf32, #tpu.memory_space<vmem>>, vector<1x16xf32>,
      %swap3A_1308 = vector.shape_cast %swap3A_1307 : vector<1x16xf32> to vector<16xf32>
      %swap3A_1309 = vector.shape_cast %max3A_1278 : vector<16xf32> to vector<1x16xf32>
      tpu.vector_store %arg5[%swap3A_1305, %swap3A_1306], %swap3A_1309 {strides = array<i32>} : memref<8x256xf32, #tpu.memory_space<vmem>>, vector<1x16xf32>,
      %swap3A_1310 = arith.constant 4 : i32
      %swap3A_1311 = arith.index_cast %swap3A_1310 : i32 to index
      %swap3A_1312 = arith.index_cast %mul3A_8 : i32 to index
      %swap3A_1313 = tpu.vector_load %arg5[%swap3A_1311, %swap3A_1312] {strides = array<i32>} : memref<8x256xf32, #tpu.memory_space<vmem>>, vector<1x16xf32>,
      %swap3A_1314 = vector.shape_cast %swap3A_1313 : vector<1x16xf32> to vector<16xf32>
      %swap3A_1315 = vector.shape_cast %max3A_1280 : vector<16xf32> to vector<1x16xf32>
      tpu.vector_store %arg5[%swap3A_1311, %swap3A_1312], %swap3A_1315 {strides = array<i32>} : memref<8x256xf32, #tpu.memory_space<vmem>>, vector<1x16xf32>,
      %swap3A_1316 = arith.constant 5 : i32
      %swap3A_1317 = arith.index_cast %swap3A_1316 : i32 to index
      %swap3A_1318 = arith.index_cast %mul3A_8 : i32 to index
      %swap3A_1319 = tpu.vector_load %arg5[%swap3A_1317, %swap3A_1318] {strides = array<i32>} : memref<8x256xf32, #tpu.memory_space<vmem>>, vector<1x16xf32>,
      %swap3A_1320 = vector.shape_cast %swap3A_1319 : vector<1x16xf32> to vector<16xf32>
      %swap3A_1321 = vector.shape_cast %max3A_1282 : vector<16xf32> to vector<1x16xf32>
      tpu.vector_store %arg5[%swap3A_1317, %swap3A_1318], %swap3A_1321 {strides = array<i32>} : memref<8x256xf32, #tpu.memory_space<vmem>>, vector<1x16xf32>,
      %swap3A_1322 = arith.constant 6 : i32
      %swap3A_1323 = arith.index_cast %swap3A_1322 : i32 to index
      %swap3A_1324 = arith.index_cast %mul3A_8 : i32 to index
      %swap3A_1325 = tpu.vector_load %arg5[%swap3A_1323, %swap3A_1324] {strides = array<i32>} : memref<8x256xf32, #tpu.memory_space<vmem>>, vector<1x16xf32>,
      %swap3A_1326 = vector.shape_cast %swap3A_1325 : vector<1x16xf32> to vector<16xf32>
      %swap3A_1327 = vector.shape_cast %max3A_1284 : vector<16xf32> to vector<1x16xf32>
      tpu.vector_store %arg5[%swap3A_1323, %swap3A_1324], %swap3A_1327 {strides = array<i32>} : memref<8x256xf32, #tpu.memory_space<vmem>>, vector<1x16xf32>,
      %swap3A_1328 = arith.constant 7 : i32
      %swap3A_1329 = arith.index_cast %swap3A_1328 : i32 to index
      %swap3A_1330 = arith.index_cast %mul3A_8 : i32 to index
      %swap3A_1331 = tpu.vector_load %arg5[%swap3A_1329, %swap3A_1330] {strides = array<i32>} : memref<8x256xf32, #tpu.memory_space<vmem>>, vector<1x16xf32>,
      %swap3A_1332 = vector.shape_cast %swap3A_1331 : vector<1x16xf32> to vector<16xf32>
      %swap3A_1333 = vector.shape_cast %max3A_1286 : vector<16xf32> to vector<1x16xf32>
      tpu.vector_store %arg5[%swap3A_1329, %swap3A_1330], %swap3A_1333 {strides = array<i32>} : memref<8x256xf32, #tpu.memory_space<vmem>>, vector<1x16xf32>,
    }
    %scan3A_5 = arith.constant 16 : i32
    "tpu.region"() ({
      %run_scoped3A = tpu.sem_alloc : memref<!tpu.dma_semaphore, #tpu.memory_space<semaphore_mem>>
      %dma_start3A = arith.constant 0 : i32
      %dma_start3A_6 = arith.constant 0 : i32
      %dma_start3A_7 = tpu.memref_slice %arg3[%add3A, %dma_start3A, %dma_start3A_6] : memref<32x8x256xf32, #tpu.memory_space<hbm>> -> memref<1x8x256xf32, #tpu.memory_space<hbm>>
      %dma_start3A_8 = tpu.memref_squeeze %dma_start3A_7 : memref<1x8x256xf32, #tpu.memory_space<hbm>> -> memref<8x256xf32, #tpu.memory_space<hbm>>
      %dma_start3A_9 = arith.constant 0 : i32
      %dma_start3A_10 = arith.constant 0 : i32
      %dma_start3A_11 = tpu.memref_slice %arg3[%add3A, %dma_start3A_9, %dma_start3A_10] : memref<32x8x256xf32, #tpu.memory_space<hbm>> -> memref<1x8x256xf32, #tpu.memory_space<hbm>>
      %dma_start3A_12 = tpu.memref_squeeze %dma_start3A_11 : memref<1x8x256xf32, #tpu.memory_space<hbm>> -> memref<8x256xf32, #tpu.memory_space<hbm>>
      tpu.enqueue_dma source(%arg5 : memref<8x256xf32, #tpu.memory_space<vmem>>) target(%dma_start3A_12 : memref<8x256xf32, #tpu.memory_space<hbm>>) target_semaphore(%run_scoped3A : memref<!tpu.dma_semaphore, #tpu.memory_space<semaphore_mem>>)
      %dma_wait3A = arith.constant 0 : i32
      %dma_wait3A_13 = arith.constant 0 : i32
      %dma_wait3A_14 = tpu.memref_slice %arg3[%add3A, %dma_wait3A, %dma_wait3A_13] : memref<32x8x256xf32, #tpu.memory_space<hbm>> -> memref<1x8x256xf32, #tpu.memory_space<hbm>>
      %dma_wait3A_15 = tpu.memref_squeeze %dma_wait3A_14 : memref<1x8x256xf32, #tpu.memory_space<hbm>> -> memref<8x256xf32, #tpu.memory_space<hbm>>
      %dma_wait3A_16 = arith.constant 0 : i32
      %dma_wait3A_17 = arith.constant 0 : i32
      %dma_wait3A_18 = tpu.memref_slice %arg3[%add3A, %dma_wait3A_16, %dma_wait3A_17] : memref<32x8x256xf32, #tpu.memory_space<hbm>> -> memref<1x8x256xf32, #tpu.memory_space<hbm>>
      %dma_wait3A_19 = tpu.memref_squeeze %dma_wait3A_18 : memref<1x8x256xf32, #tpu.memory_space<hbm>> -> memref<8x256xf32, #tpu.memory_space<hbm>>
      tpu.wait_dma2 semaphore(%run_scoped3A : memref<!tpu.dma_semaphore, #tpu.memory_space<semaphore_mem>>) src(%arg5 : memref<8x256xf32, #tpu.memory_space<vmem>>) dst(%dma_wait3A_19 : memref<8x256xf32, #tpu.memory_space<hbm>>)
      tpu.yield
    }) : () -> ()
    return
  }
}

module attributes {stable_mosaic.version = 14 : i64} {
  func.func @_unpack_body(%arg0: i32, %arg1: memref<32x8x256xf32, #tpu.memory_space<vmem>>, %arg2: memref<32x8x256xf32, #tpu.memory_space<vmem>>, %arg3: memref<32x8x256xi32, #tpu.memory_space<vmem>>) attributes {dimension_semantics = [#tpu.dimension_semantics<arbitrary>], iteration_bounds = array<i64: 1>, scalar_prefetch = 0 : i64, scratch_operands = 0 : i64, tpu.core_type = #tpu.core_type<tc>, window_params = [{pipeline_mode = #tpu.pipeline_mode<synchronous>, transform_indices = @transform_0, window_bounds = array<i64: 32, 8, 256>}, {pipeline_mode = #tpu.pipeline_mode<synchronous>, transform_indices = @transform_1, window_bounds = array<i64: 32, 8, 256>}, {pipeline_mode = #tpu.pipeline_mode<synchronous>, transform_indices = @transform_2, window_bounds = array<i64: 32, 8, 256>}]} {
    %get3A = arith.constant 0 : index
    %get3A_0 = arith.constant 0 : index
    %get3A_1 = arith.constant 0 : index
    %get3A_2 = vector.load %arg1[%get3A, %get3A_0, %get3A_1] : memref<32x8x256xf32, #tpu.memory_space<vmem>>, vector<32x8x256xf32>
    %bitcast_convert_type3A = tpu.bitcast %get3A_2 : vector<32x8x256xf32> -> vector<32x8x256xi32>
    %ge3A = arith.constant 0 : i32
    %ge3A_3 = vector.broadcast %ge3A : i32 to vector<32x8x256xi32>
    %ge3A_4 = arith.cmpi sge, %bitcast_convert_type3A, %ge3A_3 : vector<32x8x256xi32>
    %xor3A = arith.constant 2147483647 : i32
    %xor3A_5 = vector.broadcast %xor3A : i32 to vector<32x8x256xi32>
    %xor3A_6 = arith.xori %bitcast_convert_type3A, %xor3A_5 : vector<32x8x256xi32>
    %select_n3A = arith.select %ge3A_4, %bitcast_convert_type3A, %xor3A_6 : vector<32x8x256xi1>, vector<32x8x256xi32>
    %and3A = arith.constant 63 : i32
    %and3A_7 = vector.broadcast %and3A : i32 to vector<32x8x256xi32>
    %and3A_8 = arith.andi %select_n3A, %and3A_7 : vector<32x8x256xi32>
    %sub3A = arith.constant 63 : i32
    %sub3A_9 = vector.broadcast %sub3A : i32 to vector<32x8x256xi32>
    %sub3A_10 = arith.subi %sub3A_9, %and3A_8 : vector<32x8x256xi32>
    %swap3A = arith.constant 0 : index
    %swap3A_11 = arith.constant 0 : index
    %swap3A_12 = arith.constant 0 : index
    %swap3A_13 = vector.load %arg3[%swap3A, %swap3A_11, %swap3A_12] : memref<32x8x256xi32, #tpu.memory_space<vmem>>, vector<32x8x256xi32>
    tpu.vector_store %arg3[%swap3A, %swap3A_11, %swap3A_12], %sub3A_10 {strides = array<i32>} : memref<32x8x256xi32, #tpu.memory_space<vmem>>, vector<32x8x256xi32>,
    %shift_right_arithmetic3A = arith.constant 6 : i32
    %shift_right_arithmetic3A_14 = vector.broadcast %shift_right_arithmetic3A : i32 to vector<32x8x256xi32>
    %shift_right_arithmetic3A_15 = arith.shrsi %select_n3A, %shift_right_arithmetic3A_14 : vector<32x8x256xi32>
    %convert_element_type3A = arith.sitofp %shift_right_arithmetic3A_15 : vector<32x8x256xi32> to vector<32x8x256xf32>
    %mul3A = arith.constant 1.1920929E-7 : f32
    %mul3A_16 = vector.broadcast %mul3A : f32 to vector<32x8x256xf32>
    %mul3A_17 = arith.mulf %convert_element_type3A, %mul3A_16 : vector<32x8x256xf32>
    %slice3A = vector.extract_strided_slice %mul3A_17 {offsets = [0, 0, 0], sizes = [32, 1, 256], strides = [1, 1, 1]} : vector<32x8x256xf32> to vector<32x1x256xf32>
    %sub3A_18 = vector.broadcast %slice3A : vector<32x1x256xf32> to vector<32x8x256xf32>
    %sub3A_19 = arith.subf %mul3A_17, %sub3A_18 : vector<32x8x256xf32>
    %exp3A = math.exp %sub3A_19 : vector<32x8x256xf32>
    %reduce_sum3A = arith.constant dense<0.000000e+00> : vector<32x256xf32>
    %reduce_sum3A_20 = vector.multi_reduction <add>, %exp3A, %reduce_sum3A [1] : vector<32x8x256xf32> to vector<32x256xf32>
    %broadcast_in_dim3A = vector.shape_cast %reduce_sum3A_20 : vector<32x256xf32> to vector<32x1x256xf32>
    %div3A = vector.broadcast %broadcast_in_dim3A : vector<32x1x256xf32> to vector<32x8x256xf32>
    %div3A_21 = arith.divf %exp3A, %div3A : vector<32x8x256xf32>
    %swap3A_22 = arith.constant 0 : index
    %swap3A_23 = arith.constant 0 : index
    %swap3A_24 = arith.constant 0 : index
    %swap3A_25 = vector.load %arg2[%swap3A_22, %swap3A_23, %swap3A_24] : memref<32x8x256xf32, #tpu.memory_space<vmem>>, vector<32x8x256xf32>
    tpu.vector_store %arg2[%swap3A_22, %swap3A_23, %swap3A_24], %div3A_21 {strides = array<i32>} : memref<32x8x256xf32, #tpu.memory_space<vmem>>, vector<32x8x256xf32>,
    return
  }
  func.func @transform_0(%arg0: i32) -> (i32, i32, i32) {
    %c0_i32 = arith.constant 0 : i32
    %c0_i32_0 = arith.constant 0 : i32
    %c0_i32_1 = arith.constant 0 : i32
    %c0_i32_2 = arith.constant 0 : i32
    return %c0_i32, %c0_i32_0, %c0_i32_1 : i32, i32, i32
  }
  func.func @transform_1(%arg0: i32) -> (i32, i32, i32) {
    %c0_i32 = arith.constant 0 : i32
    %c0_i32_0 = arith.constant 0 : i32
    %c0_i32_1 = arith.constant 0 : i32
    %c0_i32_2 = arith.constant 0 : i32
    return %c0_i32, %c0_i32_0, %c0_i32_1 : i32, i32, i32
  }
  func.func @transform_2(%arg0: i32) -> (i32, i32, i32) {
    %c0_i32 = arith.constant 0 : i32
    %c0_i32_0 = arith.constant 0 : i32
    %c0_i32_1 = arith.constant 0 : i32
    %c0_i32_2 = arith.constant 0 : i32
    return %c0_i32, %c0_i32_0, %c0_i32_1 : i32, i32, i32
  }
}

module attributes {stable_mosaic.version = 14 : i64} {
  func.func @_pack_body(%arg0: i32, %arg1: memref<64x4096xf32, #tpu.memory_space<vmem>>, %arg2: memref<512x4096xf32, #tpu.memory_space<vmem>>, %arg3: memref<2x64x256xf32, #tpu.memory_space<vmem>>) attributes {dimension_semantics = [#tpu.dimension_semantics<arbitrary>], iteration_bounds = array<i64: 16>, scalar_prefetch = 0 : i64, scratch_operands = 0 : i64, tpu.core_type = #tpu.core_type<tc>, window_params = [{pipeline_mode = #tpu.pipeline_mode<synchronous>, transform_indices = @transform_0, window_bounds = array<i64: 64, 4096>}, {transform_indices = @transform_1, window_bounds = array<i64: 512, 4096>}, {transform_indices = @transform_2, window_bounds = array<i64: 2, 64, 256>}]} {
    %get3A = arith.constant 0 : index
    %get3A_0 = arith.constant 0 : index
    %get3A_1 = vector.load %arg1[%get3A, %get3A_0] : memref<64x4096xf32, #tpu.memory_space<vmem>>, vector<64x4096xf32>
    %get3A_2 = arith.constant 0 : index
    %get3A_3 = arith.constant 0 : index
    %get3A_4 = vector.load %arg2[%get3A_2, %get3A_3] : memref<512x4096xf32, #tpu.memory_space<vmem>>, vector<512x4096xf32>
    %dot_general3A = arith.constant dense<0.000000e+00> : vector<64x512xf32>
    %dot_general3A_5 = tpu.matmul %get3A_1, %get3A_4, %dot_general3A {dimension_numbers = #tpu.dot_dimension_numbers<[1], [1], [0], [0], [0, 0, 1, 0], [], []>, transpose_lhs_hint = false} : vector<64x4096xf32>, vector<512x4096xf32>, vector<64x512xf32> -> vector<64x512xf32>
    %jit3A = arith.constant -3.968750e+00 : f32
    %jit3A_6 = arith.constant 3.968750e+00 : f32
    %max3A = vector.broadcast %jit3A : f32 to vector<64x512xf32>
    %max3A_7 = arith.maximumf %max3A, %dot_general3A_5 : vector<64x512xf32>
    %min3A = vector.broadcast %jit3A_6 : f32 to vector<64x512xf32>
    %min3A_8 = arith.minimumf %min3A, %max3A_7 : vector<64x512xf32>
    %mul3A = arith.constant 0x4B000000 : f32
    %mul3A_9 = vector.broadcast %mul3A : f32 to vector<64x512xf32>
    %mul3A_10 = arith.mulf %min3A_8, %mul3A_9 : vector<64x512xf32>
    %convert_element_type3A = arith.fptosi %mul3A_10 : vector<64x512xf32> to vector<64x512xi32>
    %iota3A = tpu.iota {dimensions = array<i32: 0>} : vector<64x512xi32>
    %shift_left3A = arith.constant 6 : i32
    %shift_left3A_11 = vector.broadcast %shift_left3A : i32 to vector<64x512xi32>
    %shift_left3A_12 = arith.shli %convert_element_type3A, %shift_left3A_11 : vector<64x512xi32>
    %sub3A = arith.constant 63 : i32
    %sub3A_13 = vector.broadcast %sub3A : i32 to vector<64x512xi32>
    %sub3A_14 = arith.subi %sub3A_13, %iota3A : vector<64x512xi32>
    %or3A = arith.ori %shift_left3A_12, %sub3A_14 : vector<64x512xi32>
    %ge3A = arith.constant 0 : i32
    %ge3A_15 = vector.broadcast %ge3A : i32 to vector<64x512xi32>
    %ge3A_16 = arith.cmpi sge, %or3A, %ge3A_15 : vector<64x512xi32>
    %xor3A = arith.constant 2147483647 : i32
    %xor3A_17 = vector.broadcast %xor3A : i32 to vector<64x512xi32>
    %xor3A_18 = arith.xori %or3A, %xor3A_17 : vector<64x512xi32>
    %select_n3A = arith.select %ge3A_16, %or3A, %xor3A_18 : vector<64x512xi1>, vector<64x512xi32>
    %bitcast_convert_type3A = tpu.bitcast %select_n3A : vector<64x512xi32> -> vector<64x512xf32>
    %slice3A = vector.extract_strided_slice %bitcast_convert_type3A {offsets = [0, 0], sizes = [64, 256], strides = [1, 1]} : vector<64x512xf32> to vector<64x256xf32>
    %swap3A = arith.constant 0 : index
    %swap3A_19 = arith.constant 0 : index
    %swap3A_20 = arith.constant 0 : index
    %swap3A_21 = vector.load %arg3[%swap3A, %swap3A_19, %swap3A_20] : memref<2x64x256xf32, #tpu.memory_space<vmem>>, vector<1x64x256xf32>
    %swap3A_22 = vector.shape_cast %swap3A_21 : vector<1x64x256xf32> to vector<64x256xf32>
    %swap3A_23 = vector.shape_cast %slice3A : vector<64x256xf32> to vector<1x64x256xf32>
    tpu.vector_store %arg3[%swap3A, %swap3A_19, %swap3A_20], %swap3A_23 {strides = array<i32>} : memref<2x64x256xf32, #tpu.memory_space<vmem>>, vector<1x64x256xf32>,
    %slice3A_24 = vector.extract_strided_slice %bitcast_convert_type3A {offsets = [0, 256], sizes = [64, 256], strides = [1, 1]} : vector<64x512xf32> to vector<64x256xf32>
    %swap3A_25 = arith.constant 1 : index
    %swap3A_26 = arith.constant 0 : index
    %swap3A_27 = arith.constant 0 : index
    %swap3A_28 = vector.load %arg3[%swap3A_25, %swap3A_26, %swap3A_27] : memref<2x64x256xf32, #tpu.memory_space<vmem>>, vector<1x64x256xf32>
    %swap3A_29 = vector.shape_cast %swap3A_28 : vector<1x64x256xf32> to vector<64x256xf32>
    %swap3A_30 = vector.shape_cast %slice3A_24 : vector<64x256xf32> to vector<1x64x256xf32>
    tpu.vector_store %arg3[%swap3A_25, %swap3A_26, %swap3A_27], %swap3A_30 {strides = array<i32>} : memref<2x64x256xf32, #tpu.memory_space<vmem>>, vector<1x64x256xf32>,
    return
  }
  func.func @transform_0(%arg0: i32) -> (i32, i32) {
    %c0_i32 = arith.constant 0 : i32
    %c0_i32_0 = arith.constant 0 : i32
    %c0_i32_1 = arith.constant 0 : i32
    return %c0_i32, %c0_i32_0 : i32, i32
  }
  func.func @transform_1(%arg0: i32) -> (i32, i32) {
    %c0_i32 = arith.constant 0 : i32
    %c0_i32_0 = arith.constant 0 : i32
    return %arg0, %c0_i32 : i32, i32
  }
  func.func @transform_2(%arg0: i32) -> (i32, i32, i32) {
    %c0_i32 = arith.constant 0 : i32
    %c0_i32_0 = arith.constant 0 : i32
    %c0_i32_1 = arith.constant 0 : i32
    return %arg0, %c0_i32, %c0_i32_0 : i32, i32, i32
  }
}

</mosaic_0001>

<sc_bundles>
// kernel: kernel.5.cloned.1.call-start
scs
__scs_entry_jumppad:
0x0: {  	(pc) =	sbr.rel $0x88, $3  }
0x1: {  	(tag) =	ssettag $0x0;
	lr =	simm.s32 $0x1  }
0x2: {  	[smem:$0x3F9F] =	sst lr;
	_ =	strace $0xD0000000  }
0x3: {  	_ = 	snop  }
0x4: {  	_ = 	snop  }
0x5: {  	_ = 	snop  }
0x6: {  	_ = 	snop  }
0x7: {  	_ = 	snop  }
__scs_overlays_trampoline_lowered:
0x8: {  	[smem:$0x3FAE] =	sst s0  }
0x9: {  	[smem:$0x3FAF] =	sst s1  }
0xa: {  	[smem:$0x3FB0] =	sst s2  }
0xb: {  	[smem:$0x3FB1] =	sst s3  }
0xc: {  	[smem:$0x3FB2] =	sst s4  }
0xd: {  	[smem:$0x3FB3] =	sst s5  }
0xe: {  	[smem:$0x3FB4] =	sst s6  }
0xf: {  	[smem:$0x3FB5] =	sst s7  }
0x10: {  	[smem:$0x3FB6] =	sst s8  }
0x11: {  	[smem:$0x3FB7] =	sst s9;
	s0 =	simm.s32 @!p0 $0x0  }
0x12: {  	s1 =	sld [smem:$0x3F9D];
	s0 =	simm.s32 @p0 $0x1  }
0x13: {  	[smem:$0x3FB8] =	sst s0;
	s0 =	simm.s32 @!p1 $0x0  }
0x14: {  	s2 =	sld [smem:$0x3F9C];
	s0 =	simm.s32 @p1 $0x1  }
0x15: {  	[smem:$0x3FB9] =	sst s0;
	s0 =	simm.s32 @!p2 $0x0  }
0x16: {  	s3 =	sld [smem:$0x3FDB];
	s0 =	simm.s32 @p2 $0x1  }
0x17: {  	s4 =	simm.s32 $0x1BF5;
	[smem:$0x3FBB] =	sst s0  }
0x18: {  	s0 =	sld [smem:$0x3F9E];
	_ =	swait.ge [sflag:s4], $0x0  }
0x19: {  	s7 =	sld [smem:$0x3F9F]  }
0x1a: {  	s8 =	sadd.s32 $0xFFFFE003, lr  }
0x1b: {  	s9 =	sadd.s32 $0xFFFFFEF7, lr;
	s5 =	simm.s32 $0xFFFFFFFF;
	p2 =	slt.u32 s8, $0xFFFFF086  }
0x1c: {  	p1 =	slt.u32 s9, $0xF7A;
	s5 =	simm.s32 @!p2 $0x0  }
0x1d: {  	s5 =	simm.s32 @p1 $0x1;
	p0 =	seq.s32 s7, s2  }
0x1e: {  	s7 =	smul.u32 @!p0 $0xF7A, s2;
	p2 =	seq.s32 @!p0 s5, $0x0  }
0x1f: {  	s9 =	smul.u32 $0xF7A, s1;
	s8 =	simm.s32 @!p0 $0x1BF5;
	p2 =	por !p2, p0  }
0x20: {  	[sflag:s8] =	ssyncset.s32 @!p0 $0xFFFFF086;
	s6 =	sadd.s32 @!p0 s3, s7;
	s7 =	simm.s32 @!p0 $0x108  }
0x21: {  	s3 =	sadd.s32 s3, s9;
	s6 =	sadd.s32 @!p0 $0x88, s6;
	s7 =	simm.s32 @p2 $0x1082  }
0x22: {  	[simem:s7], [sflag:s8] =	dma.local @!p0 [hbm:s6], $0xF7A  }
0x23: {  	s9 =	sor.u32 $0xD0000000, s2;
	s6 =	simm.s32 $0x108;
	_ =	swait.ge @!p0 [sflag:s8], $0x0  }
0x24: {  	s3 =	sadd.s32 $0x88, s3;
	s6 =	simm.s32 @!p1 $0x1082;
	[sflag:s4] =	ssyncset.s32 $0xFFFFF086  }
0x25: {  	[simem:s6], [sflag:s4] =	dma.local [hbm:s3], $0xF7A  }
0x26: {  	[smem:$0x3F9F] =	sst s1;
	(tag) =	ssettag s2;
	_ =	strace s9  }
0x27: {  	s1 =	sld [smem:$0x3FAF]  }
0x28: {  	s2 =	sld [smem:$0x3FB0]  }
0x29: {  	s4 =	sld [smem:$0x3FB2]  }
0x2a: {  	p0 =	seq.s32 s5, $0x0;
	s5 =	sld [smem:$0x3FB3]  }
0x2b: {  	s6 =	sld [smem:$0x3FB4]  }
0x2c: {  	s7 =	sld [smem:$0x3FB5]  }
0x2d: {  	s3 =	simm.s32 $0x108;
	s8 =	sld [smem:$0x3FB6]  }
0x2e: {  	s3 =	simm.s32 @!p0 $0x1082;
	s9 =	sld [smem:$0x3FB7]  }
0x2f: {  	lr =	sadd.s32 s0, s3;
	s0 =	sld [smem:$0x3FAE]  }
0x30: {  	s3 =	sld [smem:$0x3FB1]  }
0x31: {  	[smem:$0x3FBA] =	sst s10  }
0x32: {  	s10 =	sld [smem:$0x3FB8];
	_ =	sdelay $0x3  }
0x33: {  	p0 =	seq.s32 s10, $0x1;
	s10 =	sld [smem:$0x3FBA];
	_ =	sdelay $0x3  }
0x34: {  	[smem:$0x3FBA] =	sst s10  }
0x35: {  	s10 =	sld [smem:$0x3FB9];
	_ =	sdelay $0x3  }
0x36: {  	p1 =	seq.s32 s10, $0x1;
	s10 =	sld [smem:$0x3FBA];
	_ =	sdelay $0x3  }
0x37: {  	[smem:$0x3FBA] =	sst s10  }
0x38: {  	s10 =	sld [smem:$0x3FBB]  }
0x39: {  	_ = 	snop;
	(pc) =	sbr.ind lr, $3  }
0x3a: {  	_ = 	snop  }
0x3b: {  	_ = 	snop  }
0x3c: {  	p2 =	seq.s32 s10, $0x1;
	s10 =	sld [smem:$0x3FBA]  }
0x3d: {  	_ =	shalt  }
0x3e: {  	_ =	shalt  }
0x3f: {  	_ =	shalt  }
0x40: {  	_ =	shalt  }
0x41: {  	_ =	shalt  }
0x42: {  	_ =	shalt  }
0x43: {  	_ =	shalt  }
0x44: {  	_ =	shalt  }
0x45: {  	_ =	shalt  }
0x46: {  	_ =	shalt  }
0x47: {  	_ =	shalt  }
0x48: {  	_ =	shalt  }
0x49: {  	_ =	shalt  }
0x4a: {  	_ =	shalt  }
0x4b: {  	_ =	shalt  }
0x4c: {  	_ =	shalt  }
0x4d: {  	_ =	shalt  }
0x4e: {  	_ =	shalt  }
0x4f: {  	_ =	shalt  }
0x50: {  	_ =	shalt  }
0x51: {  	_ =	shalt  }
0x52: {  	_ =	shalt  }
0x53: {  	_ =	shalt  }
0x54: {  	_ =	shalt  }
0x55: {  	_ =	shalt  }
0x56: {  	_ =	shalt  }
0x57: {  	_ =	shalt  }
0x58: {  	_ =	shalt  }
0x59: {  	_ =	shalt  }
0x5a: {  	_ =	shalt  }
0x5b: {  	_ =	shalt  }
0x5c: {  	_ =	shalt  }
0x5d: {  	_ =	shalt  }
0x5e: {  	_ =	shalt  }
0x5f: {  	_ =	shalt  }
0x60: {  	_ =	shalt  }
0x61: {  	_ =	shalt  }
0x62: {  	_ =	shalt  }
0x63: {  	_ =	shalt  }
0x64: {  	_ =	shalt  }
0x65: {  	_ =	shalt  }
0x66: {  	_ =	shalt  }
0x67: {  	_ =	shalt  }
0x68: {  	_ =	shalt  }
0x69: {  	_ =	shalt  }
0x6a: {  	_ =	shalt  }
0x6b: {  	_ =	shalt  }
0x6c: {  	_ =	shalt  }
0x6d: {  	_ =	shalt  }
0x6e: {  	_ =	shalt  }
0x6f: {  	_ =	shalt  }
0x70: {  	_ =	shalt  }
0x71: {  	_ =	shalt  }
0x72: {  	_ =	shalt  }
0x73: {  	_ =	shalt  }
0x74: {  	_ =	shalt  }
0x75: {  	_ =	shalt  }
0x76: {  	_ =	shalt  }
0x77: {  	_ =	shalt  }
0x78: {  	_ =	shalt  }
0x79: {  	_ =	shalt  }
0x7a: {  	_ =	shalt  }
0x7b: {  	_ =	shalt  }
0x7c: {  	_ =	shalt  }
0x7d: {  	_ =	shalt  }
0x7e: {  	_ =	shalt  }
0x7f: {  	_ =	shalt  }
0x80: {  	_ =	shalt  }
0x81: {  	_ =	shalt  }
0x82: {  	_ =	shalt  }
0x83: {  	_ =	shalt  }
0x84: {  	_ =	shalt  }
0x85: {  	_ =	shalt  }
0x86: {  	_ =	shalt  }
0x87: {  	_ =	shalt  }
.Lfunc_end0:
.L_simem_size_0:
called_computation_lowered:
.L_overlay_start_0:
0x88: {  	s2 =	sld [smem:$0x3FD9]  }
0x89: {  	s3 =	sld [smem:$0x3FFE];
	_ =	sdelay $0x1  }
0x8a: {  	s1 =	srdreg.scid  }
0x8b: {  	s0 =	sand.u32 $0x1, s1  }
0x8c: {  	s14 =	sshll.u32 s0, $0xA;
	s2 =	sadd.s32 s3, s2  }
0x8d: {  	s2 =	sadd.s32 s2, s14  }
0x8e: {  	[smem:$0x3FC6] =	sst s2  }
0x8f: {  	_ = 	snop  }
0x90: {  	s2 =	sld [smem:$0x3FD0];
	_ =	sdelay $0x2  }
0x91: {  	s15 =	simm.s32 $0xA;
	s4 =	simm.s32 $0x10  }
0x92: {  	[smem:s4], [sflag:s15] =	dma.local [hbm:s2], $0x1  }
0x93: {  	_ =	swait.eq [sflag:s15], $0x1  }
0x94: {  	[sflag:s15] =	ssyncset.done $0x0  }
0x95: {  	[sflag:s15] =	ssyncadd.s32 $0xFFFFFFFF  }
0x96: {  	s16 =	sld [smem:$0x11];
	(tm) =	ssettm $0x1  }
0x97: {  	s17 =	sld [smem:$0x3FFB];
	_ =	sdelay $0x3  }
0x98: {  	_ =	strace s17  }
0x99: {  	s3 =	sld [smem:$0x3FFC];
	_ =	sdelay $0x3  }
0x9a: {  	_ =	strace s3  }
0x9b: {  	s3 =	sld [smem:$0x3FFD];
	_ =	sdelay $0x3  }
0x9c: {  	_ =	strace s3  }
0x9d: {  	_ =	strace $0x8FFFFFFF  }
0x9e: {  	s18 =	sld [smem:$0x3FDB];
	_ =	sdelay $0x1  }
0x9f: {  	s19 =	simm.s32 $_scs_section_size  }
0xa0: {  	s5 =	simm.s32 $_size__tile_overlayer_lowered;
	s6 =	simm.s32 $_tile_overlayer_lowered  }
0xa1: {  	s22 =	simm.s32 $0x1BFF;
	s21 =	sshll.u32 s6, $0x1;
	s3 =	sadd.s32 s19, s18  }
0xa2: {  	s7 =	simm.s32 $0x0;
	s20 =	sshll.u32 s5, $0x1;
	s5 =	sadd.s32 s21, s3  }
0xa3: {  	[timem:s7], [sflag:s22] =	dma.local [hbm:s5], s20  }
0xa4: {  	_ =	swait.ge [sflag:s22], s20  }
0xa5: {  	s4 =	ssub.s32 $0x0, s20;
	[sflag:s22] =	ssyncset.done $0x0  }
0xa6: {  	[sflag:s22] =	ssyncadd.s32 s4;
	_ =	sdelay $0x1  }
0xa7: {  	s23 =	simm.s32 $0x1B8B  }
0xa8: {  	_ =	swait.ge [sflag:s23], $0x1  }
0xa9: {  	[sflag:s23] =	ssyncset.done $0x0  }
0xaa: {  	s25 =	simm.s32 $0x1B8E;
	s24 =	sld [smem:$0x3FFE];
	[sflag:s23] =	ssyncadd.s32 $0xFFFFFFFF  }
0xab: {  	s26 =	simm.s32 $execute0_lowered;
	[smem:$0x3FD2] =	sst s25  }
0xac: {  	s5 =	sshll.u32 s26, $0x1;
	_ =	strace $0x80000046;
	[dreg:$0x1] =	wrdreg $0xFFFFFFFF  }
0xad: {  	s28 =	simm.s32 $_size_execute0_lowered;
	s3 =	sadd.s32 s3, s5;
	[dreg:$0x0] =	wrdreg $0x0  }
0xae: {  	s5 =	sshll.u32 s28, $0x1;
	[dreg:$0x2] =	wrdreg s3  }
0xaf: {  	[dreg:$0x3] =	wrdreg s5  }
0xb0: {  	[dreg:$0x4] =	wrdreg $0xC0  }
0xb1: {  	_ =	task [dreg:s7], $0x5FFFF  }
0xb2: {  	[dreg:$0x1] =	wrdreg $0xFFFFFFFF  }
0xb3: {  	[dreg:$0x0] =	wrdreg $0x60  }
0xb4: {  	[dreg:$0x2] =	wrdreg s24  }
0xb5: {  	[dreg:$0x3] =	wrdreg s16  }
0xb6: {  	[dreg:$0x4] =	wrdreg $0x9  }
0xb7: {  	_ =	task.clear_ibuf [dreg:s7], $0x5FFFF;
	_ =	strace $0x90000046  }
0xb8: {  	s29 =	simm.s32 $0x9;
	_ =	strace $0x80000048  }
0xb9: {  	_ =	swait.ge [sflag:s29], $0x1  }
0xba: {  	[sflag:s29] =	ssyncadd.s32 $0xFFFFFFFF  }
0xbb: {  	_ =	strace $0x90000048  }
0xbc: {  	_ =	sfence  }
0xbd: {  	s30 =	sld [smem:$0x0];
	_ =	sdelay $0x2  }
0xbe: {  	s31 =	sshll.u32 s1, $0xD;
	s1 =	sshrl.u32 s1, $0x2  }
0xbf: {  	s3 =	sand.u32 $0x4000, s31;
	s1 =	sadd.s32 s1, s30  }
0xc0: {  	s0 =	sor.u32 s3, s0;
	s1 =	sshll.u32 s1, $0x11  }
0xc1: {  	s0 =	sor.u32 s1, s0  }
0xc2: {  	s0 =	sadd.s32 $0x8F2B, s0  }
0xc3: {  	[sflag:s0] =	ssyncadd.remote.s32 $0x1  }
0xc4: {  	_ =	sfence.sel $0xFFFF  }
0xc5: {  	[dreg:$0x0] =	wrdreg $0xFFFFFFFF;
	(pc) =	sbr.abs _section_cstart, $3  }
0xc6: {  	[dreg:$0x1] =	wrdreg $0xFFFFFFFF  }
0xc7: {  	_ =	task.clear_ibuf [dreg:s7], $0x2FFFF;
	_ =	strace $0x9FFFFFFF  }
0xc8: {  	(tm) =	ssettm $0x7FFFFFFF  }
0xc9: {  	_ =	shalt  }
tec
execute0_lowered:
.L_overlay_start_1:
0x0: {  	(tag) =	ssettag $0x1  }
0x1: {  	s3 =	rddreg [dreg:$0x0]  }
0x2: {  	s4 =	rddreg [dreg:$0x1]  }
0x3: {  	s0 =	rddreg [dreg:$0x2]  }
0x4: {  	s5 =	srdreg.scid;
	s1 =	stileid.u32  }
0x5: {  	s2 =	simm.s32 $0x0;
	s5 =	sand.u32 $0x1, s5;
	s6 =	sshll.u32 s1, $0x1  }
0x6: {  	[smem:$0x7FF] =	sst s2;
	s6 =	sor.u32 s5, s6;
	s5 =	ssub.s32 $0x2, s5  }
0x7: {  	_ =	strace $0x80000047;
	s7 =	sshll.u32 s6, $0xB;
	s8 =	sshrl.u32 s5, $0x1  }
0x8: {  	s6 =	sshll.u32 s6, $0x8;
	s3 =	sadd.s32 s7, s3;
	s5 =	ssub.s32 s5, s8  }
0x9: {  	s4 =	sadd.s32 s4, s6;
	s6 =	simm.s32 $0x1;
	s7 =	simm.s32 $0x4000  }
0xa: {  	s8 =	simm.s32 $0x0;
	s3 =	sadd.s32 $0xC00, s3;
	s5 =	smax.u32 s5, $0x1  }
.LBB2_1:
0xb: {  	[tilespmem:s2], [sflag:$0x1] =	stream.linear.gather [hbm4b:s3+s2], $0x4000, $0x38;
	[tilespmem:$0x4800] =	vst v63  }
0xc: {  	_ =	swait.ge [sflag:s6], $0x4000  }
0xd: {  	[sflag:s6] =	ssyncset.done $0x0  }
0xe: {  	s9 =	simm.s32 $0x0;
	s10 =	simm.s32 $0x0;
	[sflag:s6] =	ssyncadd.s32 $0xFFFFC000  }
.LBB2_2:
0xf: {  	s12 =	sand.u32 $0xFFFFFC00, s9;
	s11 =	sand.u32 $0x70, s10;
	s13 =	sand.u32 $0x400, s9  }
0x10: {  	s11 =	sor.u32 s11, s13;
	s14 =	sadd.s32 s12, s10  }
0x11: {  	v0 =	vld [tilespmem:s11+$0x0];
	s31 =	sor.u32 $0x80, s14  }
0x12: {  	v1 =	vld [tilespmem:s31+$0x0];
	_ =	sdelay $0x1  }
0x13: {  	v2 =	vld [tilespmem:s11+$0x100];
	s12 =	sor.u32 $0x180, s14  }
0x14: {  	v4 =	vld [tilespmem:s12+$0x0]  }
0x15: {  	v3 =	vmin.f32 v0, $-Inf  }
0x16: {  	v7 =	vld [tilespmem:s11+$0x200];
	v5 =	vmin.f32 v1, v0;
	v6 =	vmin.f32 v1, v3  }
0x17: {  	s14 =	sor.u32 $0x280, s14;
	v0 =	vmax.f32 v0, v1;
	v13 =	vmax.f32 v3, v5;
	v3 =	vmax.f32 v3, v6  }
0x18: {  	v19 =	vld [tilespmem:s14+$0x0];
	v14 =	vmax.f32 v0, v2;
	v0 =	vmin.f32 v2, v0;
	v15 =	vmin.f32 v2, v13  }
0x19: {  	v0 =	vmax.f32 v13, v0;
	v2 =	vmin.f32 v2, v3;
	v17 =	vmax.f32 v14, v4  }
0x1a: {  	v5 =	vmin.f32 v4, v14;
	v16 =	vmax.f32 v3, v15;
	v2 =	vmax.f32 v3, v2  }
0x1b: {  	s15 =	sor.u32 s9, s10;
	v24 =	vld [tilespmem:s11+$0x300];
	v5 =	vmax.f32 v0, v5;
	v0 =	vmin.f32 v4, v0;
	v20 =	vmin.f32 v7, v17  }
0x1c: {  	s15 =	sor.u32 $0x380, s15;
	v3 =	vmax.f32 v17, v7;
	v6 =	vmin.f32 v4, v16;
	v0 =	vmax.f32 v16, v0  }
0x1d: {  	v30 =	vld [tilespmem:s15+$0x0];
	v4 =	vmin.f32 v4, v2;
	v8 =	vmin.f32 v7, v5;
	v25 =	vmax.f32 v3, v19  }
0x1e: {  	v3 =	vmin.f32 v19, v3;
	v18 =	vmax.f32 v2, v6;
	v2 =	vmax.f32 v2, v4  }
0x1f: {  	v4 =	vmax.f32 v5, v20;
	v21 =	vmax.f32 v0, v8;
	v0 =	vmin.f32 v7, v0  }
0x20: {  	v35 =	vld [tilespmem:s11+$0x800];
	v29 =	vmax.f32 v25, v24;
	v8 =	vmin.f32 v24, v25;
	v22 =	vmin.f32 v7, v18  }
0x21: {  	v7 =	vmin.f32 v7, v2;
	v0 =	vmax.f32 v18, v0;
	v9 =	vmin.f32 v19, v4  }
0x22: {  	v40 =	vld [tilespmem:s11+$0x880];
	v3 =	vmax.f32 v4, v3;
	v5 =	vmin.f32 v19, v21;
	v34 =	vmax.f32 v29, v30  }
0x23: {  	v23 =	vmax.f32 v2, v22;
	v2 =	vmax.f32 v2, v7;
	v26 =	vmax.f32 v21, v9  }
0x24: {  	v46 =	vld [tilespmem:s11+$0x900];
	v5 =	vmax.f32 v0, v5;
	v0 =	vmin.f32 v19, v0;
	v8 =	vmax.f32 v3, v8  }
0x25: {  	v3 =	vmin.f32 v24, v3;
	v39 =	vmax.f32 v34, v35;
	v27 =	vmin.f32 v19, v23  }
0x26: {  	v0 =	vmax.f32 v23, v0;
	v6 =	vmin.f32 v19, v2;
	v10 =	vmin.f32 v24, v26  }
0x27: {  	v52 =	vld [tilespmem:s11+$0x980];
	v3 =	vmax.f32 v26, v3;
	v45 =	vmax.f32 v39, v40;
	v28 =	vmax.f32 v2, v27  }
0x28: {  	v2 =	vmax.f32 v2, v6;
	v31 =	vmax.f32 v5, v10;
	v5 =	vmin.f32 v24, v5  }
0x29: {  	v6 =	vmin.f32 v30, v29;
	v11 =	vmin.f32 v30, v3;
	v51 =	vmax.f32 v45, v46  }
0x2a: {  	v58 =	vld [tilespmem:s11+$0xA00];
	v5 =	vmax.f32 v0, v5;
	v0 =	vmin.f32 v24, v0;
	v32 =	vmin.f32 v24, v28  }
0x2b: {  	v7 =	vmin.f32 v24, v2;
	v6 =	vmax.f32 v8, v6;
	v8 =	vmin.f32 v30, v8  }
0x2c: {  	v36 =	vmax.f32 v31, v11;
	v4 =	vmin.f32 v30, v31;
	v57 =	vmax.f32 v51, v52  }
0x2d: {  	v12 =	vld [tilespmem:s11+$0xA80];
	v0 =	vmax.f32 v28, v0;
	v33 =	vmax.f32 v2, v32;
	v2 =	vmax.f32 v2, v7  }
0x2e: {  	v3 =	vmax.f32 v3, v8;
	v4 =	vmax.f32 v5, v4;
	v5 =	vmin.f32 v30, v5  }
0x2f: {  	v7 =	vmin.f32 v35, v34;
	v8 =	vmin.f32 v35, v36;
	v63 =	vmax.f32 v57, v58  }
0x30: {  	v18 =	vld [tilespmem:s11+$0xB00];
	v37 =	vmin.f32 v30, v0;
	v0 =	vmax.f32 v0, v5;
	v1 =	vmin.f32 v30, v33  }
0x31: {  	v7 =	vmax.f32 v6, v7;
	v6 =	vmin.f32 v35, v6;
	v41 =	vmin.f32 v35, v3  }
0x32: {  	v8 =	vmax.f32 v4, v8;
	v4 =	vmin.f32 v35, v4;
	v17 =	vmax.f32 v63, v12  }
0x33: {  	v38 =	vmax.f32 v33, v37;
	v1 =	vmax.f32 v2, v1;
	v3 =	vmax.f32 v3, v6  }
0x34: {  	v42 =	vmax.f32 v36, v41;
	v43 =	vmin.f32 v35, v0;
	v0 =	vmax.f32 v0, v4  }
0x35: {  	v24 =	vld [tilespmem:s11+$0xB80];
	v2 =	vmin.f32 v40, v39;
	v23 =	vmax.f32 v17, v18;
	v44 =	vmax.f32 v38, v43  }
0x36: {  	v5 =	vmin.f32 v35, v38;
	v2 =	vmax.f32 v7, v2;
	v7 =	vmin.f32 v40, v7  }
0x37: {  	v47 =	vmin.f32 v40, v3;
	v6 =	vmin.f32 v40, v42;
	v49 =	vmin.f32 v40, v0  }
0x38: {  	v1 =	vmax.f32 v1, v5;
	v3 =	vmax.f32 v3, v7;
	v48 =	vmax.f32 v42, v47  }
0x39: {  	v6 =	vmax.f32 v8, v6;
	v8 =	vmin.f32 v40, v8;
	v50 =	vmax.f32 v44, v49  }
0x3a: {  	v4 =	vmin.f32 v40, v44;
	v5 =	vmin.f32 v46, v45;
	v29 =	vmax.f32 v23, v24  }
0x3b: {  	v30 =	vld [tilespmem:s11+$0x1000];
	v0 =	vmax.f32 v0, v8;
	v1 =	vmax.f32 v1, v4;
	v5 =	vmax.f32 v2, v5  }
0x3c: {  	v2 =	vmin.f32 v46, v2;
	v53 =	vmin.f32 v46, v3;
	v7 =	vmin.f32 v46, v48  }
0x3d: {  	v8 =	vmin.f32 v46, v50;
	v4 =	vmin.f32 v52, v51;
	v2 =	vmax.f32 v3, v2  }
0x3e: {  	v36 =	vld [tilespmem:s11+$0x1080];
	v54 =	vmax.f32 v48, v53;
	v7 =	vmax.f32 v6, v7;
	v6 =	vmin.f32 v46, v6  }
0x3f: {  	v55 =	vmin.f32 v46, v0;
	v1 =	vmax.f32 v1, v8;
	v4 =	vmax.f32 v5, v4  }
0x40: {  	v5 =	vmin.f32 v52, v5;
	v8 =	vmin.f32 v58, v57;
	v35 =	vmax.f32 v29, v30  }
0x41: {  	v0 =	vmax.f32 v0, v6;
	v56 =	vmax.f32 v50, v55;
	v59 =	vmin.f32 v52, v2  }
0x42: {  	v2 =	vmax.f32 v2, v5;
	v3 =	vmin.f32 v52, v54;
	v8 =	vmax.f32 v4, v8  }
0x43: {  	v42 =	vld [tilespmem:s11+$0x1100];
	v4 =	vmin.f32 v58, v4;
	v41 =	vmax.f32 v35, v36;
	v60 =	vmax.f32 v54, v59  }
0x44: {  	v3 =	vmax.f32 v7, v3;
	v7 =	vmin.f32 v52, v7;
	v61 =	vmin.f32 v52, v0  }
0x45: {  	v6 =	vmin.f32 v52, v56;
	v13 =	vmin.f32 v58, v2;
	v2 =	vmax.f32 v2, v4  }
0x46: {  	v0 =	vmax.f32 v0, v7;
	v62 =	vmax.f32 v56, v61;
	v1 =	vmax.f32 v1, v6  }
0x47: {  	v14 =	vmax.f32 v60, v13;
	v5 =	vmin.f32 v58, v60;
	v6 =	vmin.f32 v12, v63  }
0x48: {  	v19 =	vmin.f32 v12, v2;
	v47 =	vmax.f32 v41, v42;
	v5 =	vmax.f32 v3, v5  }
0x49: {  	v48 =	vld [tilespmem:s11+$0x1180];
	v3 =	vmin.f32 v58, v3;
	v15 =	vmin.f32 v58, v0;
	v7 =	vmin.f32 v58, v62  }
0x4a: {  	v6 =	vmax.f32 v8, v6;
	v8 =	vmin.f32 v12, v8;
	v20 =	vmax.f32 v14, v19  }
0x4b: {  	v4 =	vmin.f32 v12, v14;
	v0 =	vmax.f32 v0, v3;
	v16 =	vmax.f32 v62, v15  }
0x4c: {  	v1 =	vmax.f32 v1, v7;
	v2 =	vmax.f32 v2, v8;
	v4 =	vmax.f32 v5, v4  }
0x4d: {  	v5 =	vmin.f32 v12, v5;
	v7 =	vmin.f32 v18, v17;
	v8 =	vmin.f32 v18, v20  }
0x4e: {  	v54 =	vld [tilespmem:s11+$0x1200];
	v53 =	vmax.f32 v47, v48;
	v21 =	vmin.f32 v12, v0;
	v0 =	vmax.f32 v0, v5  }
0x4f: {  	v3 =	vmin.f32 v12, v16;
	v7 =	vmax.f32 v6, v7;
	v6 =	vmin.f32 v18, v6  }
0x50: {  	v25 =	vmin.f32 v18, v2;
	v8 =	vmax.f32 v4, v8;
	v4 =	vmin.f32 v18, v4  }
0x51: {  	v60 =	vld [tilespmem:s11+$0x1280];
	v22 =	vmax.f32 v16, v21;
	v1 =	vmax.f32 v1, v3;
	v2 =	vmax.f32 v2, v6  }
0x52: {  	v26 =	vmax.f32 v20, v25;
	v27 =	vmin.f32 v18, v0;
	v0 =	vmax.f32 v0, v4  }
0x53: {  	v3 =	vmin.f32 v24, v23;
	v59 =	vmax.f32 v53, v54;
	v28 =	vmax.f32 v22, v27  }
0x54: {  	v14 =	vld [tilespmem:s11+$0x1300];
	v5 =	vmin.f32 v18, v22;
	v3 =	vmax.f32 v7, v3;
	v7 =	vmin.f32 v24, v7  }
0x55: {  	v31 =	vmin.f32 v24, v2;
	v6 =	vmin.f32 v24, v26;
	v33 =	vmin.f32 v24, v0  }
0x56: {  	v13 =	vmax.f32 v59, v60;
	v1 =	vmax.f32 v1, v5;
	v2 =	vmax.f32 v2, v7  }
0x57: {  	v32 =	vmax.f32 v26, v31;
	v6 =	vmax.f32 v8, v6;
	v8 =	vmin.f32 v24, v8  }
0x58: {  	v34 =	vmax.f32 v28, v33;
	v4 =	vmin.f32 v24, v28;
	v5 =	vmin.f32 v30, v29  }
0x59: {  	v19 =	vmax.f32 v13, v14;
	v0 =	vmax.f32 v0, v8;
	v1 =	vmax.f32 v1, v4  }
0x5a: {  	v5 =	vmax.f32 v3, v5;
	v3 =	vmin.f32 v30, v3;
	v37 =	vmin.f32 v30, v2  }
0x5b: {  	v7 =	vmin.f32 v30, v32;
	v8 =	vmin.f32 v30, v34;
	v4 =	vmin.f32 v36, v35  }
0x5c: {  	v20 =	vld [tilespmem:s11+$0x1380];
	v2 =	vmax.f32 v2, v3;
	v38 =	vmax.f32 v32, v37;
	v7 =	vmax.f32 v6, v7  }
0x5d: {  	v6 =	vmin.f32 v30, v6;
	v39 =	vmin.f32 v30, v0;
	v1 =	vmax.f32 v1, v8  }
0x5e: {  	v4 =	vmax.f32 v5, v4;
	v5 =	vmin.f32 v36, v5;
	v8 =	vmin.f32 v42, v41  }
0x5f: {  	v0 =	vmax.f32 v0, v6;
	v40 =	vmax.f32 v34, v39;
	v43 =	vmin.f32 v36, v2  }
0x60: {  	v2 =	vmax.f32 v2, v5;
	v3 =	vmin.f32 v36, v38;
	v8 =	vmax.f32 v4, v8  }
0x61: {  	v26 =	vld [tilespmem:s11+$0x1800];
	v4 =	vmin.f32 v42, v4;
	v25 =	vmax.f32 v19, v20;
	v44 =	vmax.f32 v38, v43  }
0x62: {  	v3 =	vmax.f32 v7, v3;
	v7 =	vmin.f32 v36, v7;
	v45 =	vmin.f32 v36, v0  }
0x63: {  	v6 =	vmin.f32 v36, v40;
	v49 =	vmin.f32 v42, v2;
	v2 =	vmax.f32 v2, v4  }
0x64: {  	v0 =	vmax.f32 v0, v7;
	v46 =	vmax.f32 v40, v45;
	v1 =	vmax.f32 v1, v6  }
0x65: {  	v50 =	vmax.f32 v44, v49;
	v5 =	vmin.f32 v42, v44;
	v6 =	vmin.f32 v48, v47  }
0x66: {  	v55 =	vmin.f32 v48, v2;
	v31 =	vmax.f32 v25, v26;
	v5 =	vmax.f32 v3, v5  }
0x67: {  	v32 =	vld [tilespmem:s11+$0x1880];
	v3 =	vmin.f32 v42, v3;
	v51 =	vmin.f32 v42, v0;
	v7 =	vmin.f32 v42, v46  }
0x68: {  	v6 =	vmax.f32 v8, v6;
	v8 =	vmin.f32 v48, v8;
	v56 =	vmax.f32 v50, v55  }
0x69: {  	v4 =	vmin.f32 v48, v50;
	v0 =	vmax.f32 v0, v3;
	v52 =	vmax.f32 v46, v51  }
0x6a: {  	v1 =	vmax.f32 v1, v7;
	v2 =	vmax.f32 v2, v8;
	v4 =	vmax.f32 v5, v4  }
0x6b: {  	v5 =	vmin.f32 v48, v5;
	v7 =	vmin.f32 v54, v53;
	v8 =	vmin.f32 v54, v56  }
0x6c: {  	v38 =	vld [tilespmem:s11+$0x1900];
	v37 =	vmax.f32 v31, v32;
	v57 =	vmin.f32 v48, v0;
	v0 =	vmax.f32 v0, v5  }
0x6d: {  	v3 =	vmin.f32 v48, v52;
	v7 =	vmax.f32 v6, v7;
	v6 =	vmin.f32 v54, v6  }
0x6e: {  	v61 =	vmin.f32 v54, v2;
	v8 =	vmax.f32 v4, v8;
	v4 =	vmin.f32 v54, v4  }
0x6f: {  	v44 =	vld [tilespmem:s11+$0x1980];
	v58 =	vmax.f32 v52, v57;
	v1 =	vmax.f32 v1, v3;
	v2 =	vmax.f32 v2, v6  }
0x70: {  	v62 =	vmax.f32 v56, v61;
	v63 =	vmin.f32 v54, v0;
	v0 =	vmax.f32 v0, v4  }
0x71: {  	v3 =	vmin.f32 v60, v59;
	v43 =	vmax.f32 v37, v38;
	v12 =	vmax.f32 v58, v63  }
0x72: {  	v50 =	vld [tilespmem:s11+$0x1A00];
	v5 =	vmin.f32 v54, v58;
	v3 =	vmax.f32 v7, v3;
	v7 =	vmin.f32 v60, v7  }
0x73: {  	v15 =	vmin.f32 v60, v2;
	v6 =	vmin.f32 v60, v62;
	v17 =	vmin.f32 v60, v0  }
0x74: {  	v49 =	vmax.f32 v43, v44;
	v1 =	vmax.f32 v1, v5;
	v2 =	vmax.f32 v2, v7  }
0x75: {  	v16 =	vmax.f32 v62, v15;
	v6 =	vmax.f32 v8, v6;
	v8 =	vmin.f32 v60, v8  }
0x76: {  	v18 =	vmax.f32 v12, v17;
	v4 =	vmin.f32 v60, v12;
	v5 =	vmin.f32 v14, v13  }
0x77: {  	v55 =	vmax.f32 v49, v50;
	v0 =	vmax.f32 v0, v8;
	v1 =	vmax.f32 v1, v4  }
0x78: {  	v5 =	vmax.f32 v3, v5;
	v3 =	vmin.f32 v14, v3;
	v21 =	vmin.f32 v14, v2  }
0x79: {  	v7 =	vmin.f32 v14, v16;
	v8 =	vmin.f32 v14, v18;
	v4 =	vmin.f32 v20, v19  }
0x7a: {  	v56 =	vld [tilespmem:s11+$0x1A80];
	v2 =	vmax.f32 v2, v3;
	v22 =	vmax.f32 v16, v21;
	v7 =	vmax.f32 v6, v7  }
0x7b: {  	v6 =	vmin.f32 v14, v6;
	v23 =	vmin.f32 v14, v0;
	v1 =	vmax.f32 v1, v8  }
0x7c: {  	v4 =	vmax.f32 v5, v4;
	v5 =	vmin.f32 v20, v5;
	v8 =	vmin.f32 v26, v25  }
0x7d: {  	v0 =	vmax.f32 v0, v6;
	v24 =	vmax.f32 v18, v23;
	v27 =	vmin.f32 v20, v2  }
0x7e: {  	v2 =	vmax.f32 v2, v5;
	v3 =	vmin.f32 v20, v22;
	v8 =	vmax.f32 v4, v8  }
0x7f: {  	v62 =	vld [tilespmem:s11+$0x1B00];
	v4 =	vmin.f32 v26, v4;
	v61 =	vmax.f32 v55, v56;
	v28 =	vmax.f32 v22, v27  }
0x80: {  	v3 =	vmax.f32 v7, v3;
	v7 =	vmin.f32 v20, v7;
	v29 =	vmin.f32 v20, v0  }
0x81: {  	v6 =	vmin.f32 v20, v24;
	v33 =	vmin.f32 v26, v2;
	v2 =	vmax.f32 v2, v4  }
0x82: {  	v0 =	vmax.f32 v0, v7;
	v30 =	vmax.f32 v24, v29;
	v1 =	vmax.f32 v1, v6  }
0x83: {  	v34 =	vmax.f32 v28, v33;
	v5 =	vmin.f32 v26, v28;
	v6 =	vmin.f32 v32, v31  }
0x84: {  	v39 =	vmin.f32 v32, v2;
	v15 =	vmax.f32 v61, v62;
	v5 =	vmax.f32 v3, v5  }
0x85: {  	v16 =	vld [tilespmem:s11+$0x1B80];
	v3 =	vmin.f32 v26, v3;
	v35 =	vmin.f32 v26, v0;
	v7 =	vmin.f32 v26, v30  }
0x86: {  	v6 =	vmax.f32 v8, v6;
	v8 =	vmin.f32 v32, v8;
	v40 =	vmax.f32 v34, v39  }
0x87: {  	v4 =	vmin.f32 v32, v34;
	v0 =	vmax.f32 v0, v3;
	v36 =	vmax.f32 v30, v35  }
0x88: {  	v1 =	vmax.f32 v1, v7;
	v2 =	vmax.f32 v2, v8;
	v4 =	vmax.f32 v5, v4  }
0x89: {  	v5 =	vmin.f32 v32, v5;
	v7 =	vmin.f32 v38, v37;
	v8 =	vmin.f32 v38, v40  }
0x8a: {  	v22 =	vld [tilespmem:s11+$0x2000];
	v21 =	vmax.f32 v15, v16;
	v41 =	vmin.f32 v32, v0;
	v0 =	vmax.f32 v0, v5  }
0x8b: {  	v3 =	vmin.f32 v32, v36;
	v7 =	vmax.f32 v6, v7;
	v6 =	vmin.f32 v38, v6  }
0x8c: {  	v45 =	vmin.f32 v38, v2;
	v8 =	vmax.f32 v4, v8;
	v4 =	vmin.f32 v38, v4  }
0x8d: {  	v28 =	vld [tilespmem:s11+$0x2080];
	v42 =	vmax.f32 v36, v41;
	v1 =	vmax.f32 v1, v3;
	v2 =	vmax.f32 v2, v6  }
0x8e: {  	v46 =	vmax.f32 v40, v45;
	v47 =	vmin.f32 v38, v0;
	v0 =	vmax.f32 v0, v4  }
0x8f: {  	v3 =	vmin.f32 v44, v43;
	v27 =	vmax.f32 v21, v22;
	v48 =	vmax.f32 v42, v47  }
0x90: {  	v34 =	vld [tilespmem:s11+$0x2100];
	v5 =	vmin.f32 v38, v42;
	v3 =	vmax.f32 v7, v3;
	v7 =	vmin.f32 v44, v7  }
0x91: {  	v51 =	vmin.f32 v44, v2;
	v6 =	vmin.f32 v44, v46;
	v53 =	vmin.f32 v44, v0  }
0x92: {  	v33 =	vmax.f32 v27, v28;
	v1 =	vmax.f32 v1, v5;
	v2 =	vmax.f32 v2, v7  }
0x93: {  	v52 =	vmax.f32 v46, v51;
	v6 =	vmax.f32 v8, v6;
	v8 =	vmin.f32 v44, v8  }
0x94: {  	v54 =	vmax.f32 v48, v53;
	v4 =	vmin.f32 v44, v48;
	v5 =	vmin.f32 v50, v49  }
0x95: {  	v39 =	vmax.f32 v33, v34;
	v0 =	vmax.f32 v0, v8;
	v1 =	vmax.f32 v1, v4  }
0x96: {  	v5 =	vmax.f32 v3, v5;
	v3 =	vmin.f32 v50, v3;
	v57 =	vmin.f32 v50, v2  }
0x97: {  	v7 =	vmin.f32 v50, v52;
	v8 =	vmin.f32 v50, v54;
	v4 =	vmin.f32 v56, v55  }
0x98: {  	v40 =	vld [tilespmem:s11+$0x2180];
	v2 =	vmax.f32 v2, v3;
	v58 =	vmax.f32 v52, v57;
	v7 =	vmax.f32 v6, v7  }
0x99: {  	v6 =	vmin.f32 v50, v6;
	v59 =	vmin.f32 v50, v0;
	v1 =	vmax.f32 v1, v8  }
0x9a: {  	v4 =	vmax.f32 v5, v4;
	v5 =	vmin.f32 v56, v5;
	v8 =	vmin.f32 v62, v61  }
0x9b: {  	v0 =	vmax.f32 v0, v6;
	v60 =	vmax.f32 v54, v59;
	v63 =	vmin.f32 v56, v2  }
0x9c: {  	v2 =	vmax.f32 v2, v5;
	v3 =	vmin.f32 v56, v58;
	v8 =	vmax.f32 v4, v8  }
0x9d: {  	v46 =	vld [tilespmem:s11+$0x2200];
	v4 =	vmin.f32 v62, v4;
	v45 =	vmax.f32 v39, v40;
	v12 =	vmax.f32 v58, v63  }
0x9e: {  	v3 =	vmax.f32 v7, v3;
	v7 =	vmin.f32 v56, v7;
	v13 =	vmin.f32 v56, v0  }
0x9f: {  	v6 =	vmin.f32 v56, v60;
	v17 =	vmin.f32 v62, v2;
	v2 =	vmax.f32 v2, v4  }
0xa0: {  	v0 =	vmax.f32 v0, v7;
	v14 =	vmax.f32 v60, v13;
	v1 =	vmax.f32 v1, v6  }
0xa1: {  	v18 =	vmax.f32 v12, v17;
	v5 =	vmin.f32 v62, v12;
	v6 =	vmin.f32 v16, v15  }
0xa2: {  	v23 =	vmin.f32 v16, v2;
	v51 =	vmax.f32 v45, v46;
	v5 =	vmax.f32 v3, v5  }
0xa3: {  	v52 =	vld [tilespmem:s11+$0x2280];
	v3 =	vmin.f32 v62, v3;
	v19 =	vmin.f32 v62, v0;
	v7 =	vmin.f32 v62, v14  }
0xa4: {  	v6 =	vmax.f32 v8, v6;
	v8 =	vmin.f32 v16, v8;
	v24 =	vmax.f32 v18, v23  }
0xa5: {  	v4 =	vmin.f32 v16, v18;
	v0 =	vmax.f32 v0, v3;
	v20 =	vmax.f32 v14, v19  }
0xa6: {  	v1 =	vmax.f32 v1, v7;
	v2 =	vmax.f32 v2, v8;
	v4 =	vmax.f32 v5, v4  }
0xa7: {  	v5 =	vmin.f32 v16, v5;
	v7 =	vmin.f32 v22, v21;
	v8 =	vmin.f32 v22, v24  }
0xa8: {  	v58 =	vld [tilespmem:s11+$0x2300];
	v57 =	vmax.f32 v51, v52;
	v25 =	vmin.f32 v16, v0;
	v0 =	vmax.f32 v0, v5  }
0xa9: {  	v3 =	vmin.f32 v16, v20;
	v7 =	vmax.f32 v6, v7;
	v6 =	vmin.f32 v22, v6  }
0xaa: {  	v29 =	vmin.f32 v22, v2;
	v8 =	vmax.f32 v4, v8;
	v4 =	vmin.f32 v22, v4  }
0xab: {  	v12 =	vld [tilespmem:s11+$0x2380];
	v26 =	vmax.f32 v20, v25;
	v1 =	vmax.f32 v1, v3;
	v2 =	vmax.f32 v2, v6  }
0xac: {  	v30 =	vmax.f32 v24, v29;
	v31 =	vmin.f32 v22, v0;
	v0 =	vmax.f32 v0, v4  }
0xad: {  	v3 =	vmin.f32 v28, v27;
	v63 =	vmax.f32 v57, v58;
	v32 =	vmax.f32 v26, v31  }
0xae: {  	v18 =	vld [tilespmem:s11+$0x2800];
	v5 =	vmin.f32 v22, v26;
	v3 =	vmax.f32 v7, v3;
	v7 =	vmin.f32 v28, v7  }
0xaf: {  	v35 =	vmin.f32 v28, v2;
	v6 =	vmin.f32 v28, v30;
	v37 =	vmin.f32 v28, v0  }
0xb0: {  	v17 =	vmax.f32 v63, v12;
	v1 =	vmax.f32 v1, v5;
	v2 =	vmax.f32 v2, v7  }
0xb1: {  	v36 =	vmax.f32 v30, v35;
	v6 =	vmax.f32 v8, v6;
	v8 =	vmin.f32 v28, v8  }
0xb2: {  	v38 =	vmax.f32 v32, v37;
	v4 =	vmin.f32 v28, v32;
	v5 =	vmin.f32 v34, v33  }
0xb3: {  	v23 =	vmax.f32 v17, v18;
	v0 =	vmax.f32 v0, v8;
	v1 =	vmax.f32 v1, v4  }
0xb4: {  	v5 =	vmax.f32 v3, v5;
	v3 =	vmin.f32 v34, v3;
	v41 =	vmin.f32 v34, v2  }
0xb5: {  	v7 =	vmin.f32 v34, v36;
	v8 =	vmin.f32 v34, v38;
	v4 =	vmin.f32 v40, v39  }
0xb6: {  	v24 =	vld [tilespmem:s11+$0x2880];
	v2 =	vmax.f32 v2, v3;
	v42 =	vmax.f32 v36, v41;
	v7 =	vmax.f32 v6, v7  }
0xb7: {  	v6 =	vmin.f32 v34, v6;
	v43 =	vmin.f32 v34, v0;
	v1 =	vmax.f32 v1, v8  }
0xb8: {  	v4 =	vmax.f32 v5, v4;
	v5 =	vmin.f32 v40, v5;
	v8 =	vmin.f32 v46, v45  }
0xb9: {  	v0 =	vmax.f32 v0, v6;
	v44 =	vmax.f32 v38, v43;
	v47 =	vmin.f32 v40, v2  }
0xba: {  	v2 =	vmax.f32 v2, v5;
	v3 =	vmin.f32 v40, v42;
	v8 =	vmax.f32 v4, v8  }
0xbb: {  	v30 =	vld [tilespmem:s11+$0x2900];
	v4 =	vmin.f32 v46, v4;
	v29 =	vmax.f32 v23, v24;
	v48 =	vmax.f32 v42, v47  }
0xbc: {  	v3 =	vmax.f32 v7, v3;
	v7 =	vmin.f32 v40, v7;
	v49 =	vmin.f32 v40, v0  }
0xbd: {  	v6 =	vmin.f32 v40, v44;
	v53 =	vmin.f32 v46, v2;
	v2 =	vmax.f32 v2, v4  }
0xbe: {  	v0 =	vmax.f32 v0, v7;
	v50 =	vmax.f32 v44, v49;
	v1 =	vmax.f32 v1, v6  }
0xbf: {  	v54 =	vmax.f32 v48, v53;
	v5 =	vmin.f32 v46, v48;
	v6 =	vmin.f32 v52, v51  }
0xc0: {  	v59 =	vmin.f32 v52, v2;
	v35 =	vmax.f32 v29, v30;
	v5 =	vmax.f32 v3, v5  }
0xc1: {  	v36 =	vld [tilespmem:s11+$0x2980];
	v3 =	vmin.f32 v46, v3;
	v55 =	vmin.f32 v46, v0;
	v7 =	vmin.f32 v46, v50  }
0xc2: {  	v6 =	vmax.f32 v8, v6;
	v8 =	vmin.f32 v52, v8;
	v60 =	vmax.f32 v54, v59  }
0xc3: {  	v4 =	vmin.f32 v52, v54;
	v0 =	vmax.f32 v0, v3;
	v56 =	vmax.f32 v50, v55  }
0xc4: {  	v1 =	vmax.f32 v1, v7;
	v2 =	vmax.f32 v2, v8;
	v4 =	vmax.f32 v5, v4  }
0xc5: {  	v5 =	vmin.f32 v52, v5;
	v7 =	vmin.f32 v58, v57;
	v8 =	vmin.f32 v58, v60  }
0xc6: {  	v42 =	vld [tilespmem:s11+$0x2A00];
	v41 =	vmax.f32 v35, v36;
	v61 =	vmin.f32 v52, v0;
	v0 =	vmax.f32 v0, v5  }
0xc7: {  	v3 =	vmin.f32 v52, v56;
	v7 =	vmax.f32 v6, v7;
	v6 =	vmin.f32 v58, v6  }
0xc8: {  	v13 =	vmin.f32 v58, v2;
	v8 =	vmax.f32 v4, v8;
	v4 =	vmin.f32 v58, v4  }
0xc9: {  	v48 =	vld [tilespmem:s11+$0x2A80];
	v62 =	vmax.f32 v56, v61;
	v1 =	vmax.f32 v1, v3;
	v2 =	vmax.f32 v2, v6  }
0xca: {  	v14 =	vmax.f32 v60, v13;
	v15 =	vmin.f32 v58, v0;
	v0 =	vmax.f32 v0, v4  }
0xcb: {  	v3 =	vmin.f32 v12, v63;
	v47 =	vmax.f32 v41, v42;
	v16 =	vmax.f32 v62, v15  }
0xcc: {  	v54 =	vld [tilespmem:s11+$0x2B00];
	v5 =	vmin.f32 v58, v62;
	v3 =	vmax.f32 v7, v3;
	v7 =	vmin.f32 v12, v7  }
0xcd: {  	v19 =	vmin.f32 v12, v2;
	v6 =	vmin.f32 v12, v14;
	v21 =	vmin.f32 v12, v0  }
0xce: {  	v53 =	vmax.f32 v47, v48;
	v1 =	vmax.f32 v1, v5;
	v2 =	vmax.f32 v2, v7  }
0xcf: {  	v20 =	vmax.f32 v14, v19;
	v6 =	vmax.f32 v8, v6;
	v8 =	vmin.f32 v12, v8  }
0xd0: {  	v22 =	vmax.f32 v16, v21;
	v4 =	vmin.f32 v12, v16;
	v5 =	vmin.f32 v18, v17  }
0xd1: {  	v59 =	vmax.f32 v53, v54;
	v0 =	vmax.f32 v0, v8;
	v1 =	vmax.f32 v1, v4  }
0xd2: {  	v5 =	vmax.f32 v3, v5;
	v3 =	vmin.f32 v18, v3;
	v25 =	vmin.f32 v18, v2  }
0xd3: {  	v7 =	vmin.f32 v18, v20;
	v8 =	vmin.f32 v18, v22;
	v4 =	vmin.f32 v24, v23  }
0xd4: {  	v60 =	vld [tilespmem:s11+$0x2B80];
	v2 =	vmax.f32 v2, v3;
	v26 =	vmax.f32 v20, v25;
	v7 =	vmax.f32 v6, v7  }
0xd5: {  	v6 =	vmin.f32 v18, v6;
	v27 =	vmin.f32 v18, v0;
	v1 =	vmax.f32 v1, v8  }
0xd6: {  	v4 =	vmax.f32 v5, v4;
	v5 =	vmin.f32 v24, v5;
	v8 =	vmin.f32 v30, v29  }
0xd7: {  	v0 =	vmax.f32 v0, v6;
	v28 =	vmax.f32 v22, v27;
	v31 =	vmin.f32 v24, v2  }
0xd8: {  	v2 =	vmax.f32 v2, v5;
	v3 =	vmin.f32 v24, v26;
	v8 =	vmax.f32 v4, v8  }
0xd9: {  	v14 =	vld [tilespmem:s11+$0x3000];
	v4 =	vmin.f32 v30, v4;
	v13 =	vmax.f32 v59, v60;
	v32 =	vmax.f32 v26, v31  }
0xda: {  	v3 =	vmax.f32 v7, v3;
	v7 =	vmin.f32 v24, v7;
	v33 =	vmin.f32 v24, v0  }
0xdb: {  	v6 =	vmin.f32 v24, v28;
	v37 =	vmin.f32 v30, v2;
	v2 =	vmax.f32 v2, v4  }
0xdc: {  	v0 =	vmax.f32 v0, v7;
	v34 =	vmax.f32 v28, v33;
	v1 =	vmax.f32 v1, v6  }
0xdd: {  	v38 =	vmax.f32 v32, v37;
	v5 =	vmin.f32 v30, v32;
	v6 =	vmin.f32 v36, v35  }
0xde: {  	v43 =	vmin.f32 v36, v2;
	v19 =	vmax.f32 v13, v14;
	v5 =	vmax.f32 v3, v5  }
0xdf: {  	v20 =	vld [tilespmem:s11+$0x3080];
	v3 =	vmin.f32 v30, v3;
	v39 =	vmin.f32 v30, v0;
	v7 =	vmin.f32 v30, v34  }
0xe0: {  	v6 =	vmax.f32 v8, v6;
	v8 =	vmin.f32 v36, v8;
	v44 =	vmax.f32 v38, v43  }
0xe1: {  	v4 =	vmin.f32 v36, v38;
	v0 =	vmax.f32 v0, v3;
	v40 =	vmax.f32 v34, v39  }
0xe2: {  	v1 =	vmax.f32 v1, v7;
	v2 =	vmax.f32 v2, v8;
	v4 =	vmax.f32 v5, v4  }
0xe3: {  	v5 =	vmin.f32 v36, v5;
	v7 =	vmin.f32 v42, v41;
	v8 =	vmin.f32 v42, v44  }
0xe4: {  	v26 =	vld [tilespmem:s11+$0x3100];
	v25 =	vmax.f32 v19, v20;
	v45 =	vmin.f32 v36, v0;
	v0 =	vmax.f32 v0, v5  }
0xe5: {  	v3 =	vmin.f32 v36, v40;
	v7 =	vmax.f32 v6, v7;
	v6 =	vmin.f32 v42, v6  }
0xe6: {  	v49 =	vmin.f32 v42, v2;
	v8 =	vmax.f32 v4, v8;
	v4 =	vmin.f32 v42, v4  }
0xe7: {  	v32 =	vld [tilespmem:s11+$0x3180];
	v46 =	vmax.f32 v40, v45;
	v1 =	vmax.f32 v1, v3;
	v2 =	vmax.f32 v2, v6  }
0xe8: {  	v50 =	vmax.f32 v44, v49;
	v51 =	vmin.f32 v42, v0;
	v0 =	vmax.f32 v0, v4  }
0xe9: {  	v3 =	vmin.f32 v48, v47;
	v31 =	vmax.f32 v25, v26;
	v52 =	vmax.f32 v46, v51  }
0xea: {  	v38 =	vld [tilespmem:s11+$0x3200];
	v5 =	vmin.f32 v42, v46;
	v3 =	vmax.f32 v7, v3;
	v7 =	vmin.f32 v48, v7  }
0xeb: {  	v55 =	vmin.f32 v48, v2;
	v6 =	vmin.f32 v48, v50;
	v57 =	vmin.f32 v48, v0  }
0xec: {  	v37 =	vmax.f32 v31, v32;
	v1 =	vmax.f32 v1, v5;
	v2 =	vmax.f32 v2, v7  }
0xed: {  	v56 =	vmax.f32 v50, v55;
	v6 =	vmax.f32 v8, v6;
	v8 =	vmin.f32 v48, v8  }
0xee: {  	v58 =	vmax.f32 v52, v57;
	v4 =	vmin.f32 v48, v52;
	v5 =	vmin.f32 v54, v53  }
0xef: {  	v43 =	vmax.f32 v37, v38;
	v0 =	vmax.f32 v0, v8;
	v1 =	vmax.f32 v1, v4  }
0xf0: {  	v5 =	vmax.f32 v3, v5;
	v3 =	vmin.f32 v54, v3;
	v61 =	vmin.f32 v54, v2  }
0xf1: {  	v7 =	vmin.f32 v54, v56;
	v8 =	vmin.f32 v54, v58;
	v4 =	vmin.f32 v60, v59  }
0xf2: {  	v44 =	vld [tilespmem:s11+$0x3280];
	v2 =	vmax.f32 v2, v3;
	v62 =	vmax.f32 v56, v61;
	v7 =	vmax.f32 v6, v7  }
0xf3: {  	v6 =	vmin.f32 v54, v6;
	v63 =	vmin.f32 v54, v0;
	v1 =	vmax.f32 v1, v8  }
0xf4: {  	v4 =	vmax.f32 v5, v4;
	v5 =	vmin.f32 v60, v5;
	v8 =	vmin.f32 v14, v13  }
0xf5: {  	v0 =	vmax.f32 v0, v6;
	v12 =	vmax.f32 v58, v63;
	v15 =	vmin.f32 v60, v2  }
0xf6: {  	v2 =	vmax.f32 v2, v5;
	v3 =	vmin.f32 v60, v62;
	v8 =	vmax.f32 v4, v8  }
0xf7: {  	v50 =	vld [tilespmem:s11+$0x3300];
	v4 =	vmin.f32 v14, v4;
	v49 =	vmax.f32 v43, v44;
	v16 =	vmax.f32 v62, v15  }
0xf8: {  	v3 =	vmax.f32 v7, v3;
	v7 =	vmin.f32 v60, v7;
	v17 =	vmin.f32 v60, v0  }
0xf9: {  	v6 =	vmin.f32 v60, v12;
	v21 =	vmin.f32 v14, v2;
	v2 =	vmax.f32 v2, v4  }
0xfa: {  	v0 =	vmax.f32 v0, v7;
	v18 =	vmax.f32 v12, v17;
	v1 =	vmax.f32 v1, v6  }
0xfb: {  	v22 =	vmax.f32 v16, v21;
	v5 =	vmin.f32 v14, v16;
	v6 =	vmin.f32 v20, v19  }
0xfc: {  	v27 =	vmin.f32 v20, v2;
	v55 =	vmax.f32 v49, v50;
	v5 =	vmax.f32 v3, v5  }
0xfd: {  	v56 =	vld [tilespmem:s11+$0x3380];
	v3 =	vmin.f32 v14, v3;
	v23 =	vmin.f32 v14, v0;
	v7 =	vmin.f32 v14, v18  }
0xfe: {  	v6 =	vmax.f32 v8, v6;
	v8 =	vmin.f32 v20, v8;
	v28 =	vmax.f32 v22, v27  }
0xff: {  	v4 =	vmin.f32 v20, v22;
	v0 =	vmax.f32 v0, v3;
	v24 =	vmax.f32 v18, v23  }
0x100: {  	v1 =	vmax.f32 v1, v7;
	v2 =	vmax.f32 v2, v8;
	v4 =	vmax.f32 v5, v4  }
0x101: {  	v5 =	vmin.f32 v20, v5;
	v7 =	vmin.f32 v26, v25;
	v8 =	vmin.f32 v26, v28  }
0x102: {  	v62 =	vld [tilespmem:s11+$0x3800];
	v61 =	vmax.f32 v55, v56;
	v29 =	vmin.f32 v20, v0;
	v0 =	vmax.f32 v0, v5  }
0x103: {  	v3 =	vmin.f32 v20, v24;
	v7 =	vmax.f32 v6, v7;
	v6 =	vmin.f32 v26, v6  }
0x104: {  	v33 =	vmin.f32 v26, v2;
	v8 =	vmax.f32 v4, v8;
	v4 =	vmin.f32 v26, v4  }
0x105: {  	v16 =	vld [tilespmem:s11+$0x3880];
	v30 =	vmax.f32 v24, v29;
	v1 =	vmax.f32 v1, v3;
	v2 =	vmax.f32 v2, v6  }
0x106: {  	v34 =	vmax.f32 v28, v33;
	v35 =	vmin.f32 v26, v0;
	v0 =	vmax.f32 v0, v4  }
0x107: {  	v3 =	vmin.f32 v32, v31;
	v15 =	vmax.f32 v61, v62;
	v36 =	vmax.f32 v30, v35  }
0x108: {  	v22 =	vld [tilespmem:s11+$0x3900];
	v5 =	vmin.f32 v26, v30;
	v3 =	vmax.f32 v7, v3;
	v7 =	vmin.f32 v32, v7  }
0x109: {  	v39 =	vmin.f32 v32, v2;
	v6 =	vmin.f32 v32, v34;
	v41 =	vmin.f32 v32, v0  }
0x10a: {  	v21 =	vmax.f32 v15, v16;
	v1 =	vmax.f32 v1, v5;
	v2 =	vmax.f32 v2, v7  }
0x10b: {  	v40 =	vmax.f32 v34, v39;
	v6 =	vmax.f32 v8, v6;
	v8 =	vmin.f32 v32, v8  }
0x10c: {  	v42 =	vmax.f32 v36, v41;
	v4 =	vmin.f32 v32, v36;
	v5 =	vmin.f32 v38, v37  }
0x10d: {  	v27 =	vmax.f32 v21, v22;
	v0 =	vmax.f32 v0, v8;
	v1 =	vmax.f32 v1, v4  }
0x10e: {  	v5 =	vmax.f32 v3, v5;
	v3 =	vmin.f32 v38, v3;
	v45 =	vmin.f32 v38, v2  }
0x10f: {  	v7 =	vmin.f32 v38, v40;
	v8 =	vmin.f32 v38, v42;
	v4 =	vmin.f32 v44, v43  }
0x110: {  	v28 =	vld [tilespmem:s11+$0x3980];
	v2 =	vmax.f32 v2, v3;
	v46 =	vmax.f32 v40, v45;
	v7 =	vmax.f32 v6, v7  }
0x111: {  	v6 =	vmin.f32 v38, v6;
	v47 =	vmin.f32 v38, v0;
	v1 =	vmax.f32 v1, v8  }
0x112: {  	v4 =	vmax.f32 v5, v4;
	v5 =	vmin.f32 v44, v5;
	v8 =	vmin.f32 v50, v49  }
0x113: {  	v0 =	vmax.f32 v0, v6;
	v48 =	vmax.f32 v42, v47;
	v51 =	vmin.f32 v44, v2  }
0x114: {  	v2 =	vmax.f32 v2, v5;
	v3 =	vmin.f32 v44, v46;
	v8 =	vmax.f32 v4, v8  }
0x115: {  	v34 =	vld [tilespmem:s11+$0x3A00];
	v4 =	vmin.f32 v50, v4;
	v33 =	vmax.f32 v27, v28;
	v52 =	vmax.f32 v46, v51  }
0x116: {  	v3 =	vmax.f32 v7, v3;
	v7 =	vmin.f32 v44, v7;
	v53 =	vmin.f32 v44, v0  }
0x117: {  	v6 =	vmin.f32 v44, v48;
	v57 =	vmin.f32 v50, v2;
	v2 =	vmax.f32 v2, v4  }
0x118: {  	v0 =	vmax.f32 v0, v7;
	v54 =	vmax.f32 v48, v53;
	v1 =	vmax.f32 v1, v6  }
0x119: {  	v58 =	vmax.f32 v52, v57;
	v5 =	vmin.f32 v50, v52;
	v6 =	vmin.f32 v56, v55  }
0x11a: {  	v63 =	vmin.f32 v56, v2;
	v39 =	vmax.f32 v33, v34;
	v5 =	vmax.f32 v3, v5  }
0x11b: {  	v40 =	vld [tilespmem:s11+$0x3A80];
	v3 =	vmin.f32 v50, v3;
	v59 =	vmin.f32 v50, v0;
	v7 =	vmin.f32 v50, v54  }
0x11c: {  	v6 =	vmax.f32 v8, v6;
	v8 =	vmin.f32 v56, v8;
	v12 =	vmax.f32 v58, v63  }
0x11d: {  	v4 =	vmin.f32 v56, v58;
	v0 =	vmax.f32 v0, v3;
	v60 =	vmax.f32 v54, v59  }
0x11e: {  	v1 =	vmax.f32 v1, v7;
	v2 =	vmax.f32 v2, v8;
	v4 =	vmax.f32 v5, v4  }
0x11f: {  	v5 =	vmin.f32 v56, v5;
	v7 =	vmin.f32 v62, v61;
	v8 =	vmin.f32 v62, v12  }
0x120: {  	v45 =	vmin.f32 v40, v39;
	v13 =	vmin.f32 v56, v0;
	v0 =	vmax.f32 v0, v5  }
0x121: {  	v3 =	vmin.f32 v56, v60;
	v7 =	vmax.f32 v6, v7;
	v6 =	vmin.f32 v62, v6  }
0x122: {  	v17 =	vmin.f32 v62, v2;
	v8 =	vmax.f32 v4, v8;
	v4 =	vmin.f32 v62, v4  }
0x123: {  	v14 =	vmax.f32 v60, v13;
	v1 =	vmax.f32 v1, v3;
	v2 =	vmax.f32 v2, v6  }
0x124: {  	v18 =	vmax.f32 v12, v17;
	v19 =	vmin.f32 v62, v0;
	v0 =	vmax.f32 v0, v4  }
0x125: {  	v3 =	vmin.f32 v16, v15;
	v20 =	vmax.f32 v14, v19;
	v5 =	vmin.f32 v62, v14  }
0x126: {  	v3 =	vmax.f32 v7, v3;
	v7 =	vmin.f32 v16, v7;
	v23 =	vmin.f32 v16, v2  }
0x127: {  	v6 =	vmin.f32 v16, v18;
	v25 =	vmin.f32 v16, v0;
	v1 =	vmax.f32 v1, v5  }
0x128: {  	v2 =	vmax.f32 v2, v7;
	v24 =	vmax.f32 v18, v23;
	v6 =	vmax.f32 v8, v6  }
0x129: {  	v8 =	vmin.f32 v16, v8;
	v26 =	vmax.f32 v20, v25;
	v4 =	vmin.f32 v16, v20  }
0x12a: {  	v5 =	vmin.f32 v22, v21;
	v0 =	vmax.f32 v0, v8;
	v1 =	vmax.f32 v1, v4  }
0x12b: {  	v5 =	vmax.f32 v3, v5;
	v3 =	vmin.f32 v22, v3;
	v29 =	vmin.f32 v22, v2  }
0x12c: {  	v7 =	vmin.f32 v22, v24;
	v8 =	vmin.f32 v22, v26;
	v4 =	vmin.f32 v28, v27  }
0x12d: {  	v2 =	vmax.f32 v2, v3;
	v30 =	vmax.f32 v24, v29;
	v7 =	vmax.f32 v6, v7  }
0x12e: {  	v6 =	vmin.f32 v22, v6;
	v31 =	vmin.f32 v22, v0;
	v1 =	vmax.f32 v1, v8  }
0x12f: {  	v4 =	vmax.f32 v5, v4;
	v5 =	vmin.f32 v28, v5;
	v8 =	vmin.f32 v34, v33  }
0x130: {  	v0 =	vmax.f32 v0, v6;
	v32 =	vmax.f32 v26, v31;
	v35 =	vmin.f32 v28, v2  }
0x131: {  	v2 =	vmax.f32 v2, v5;
	v3 =	vmin.f32 v28, v30;
	v8 =	vmax.f32 v4, v8  }
0x132: {  	v4 =	vmin.f32 v34, v4;
	v36 =	vmax.f32 v30, v35;
	v3 =	vmax.f32 v7, v3  }
0x133: {  	v7 =	vmin.f32 v28, v7;
	v37 =	vmin.f32 v28, v0;
	v6 =	vmin.f32 v28, v32  }
0x134: {  	v47 =	vld [tilespmem:s11+$0x3B00];
	v41 =	vmin.f32 v34, v2;
	v2 =	vmax.f32 v2, v4;
	v46 =	vmin.f32 v40, v8  }
0x135: {  	v0 =	vmax.f32 v0, v7;
	v38 =	vmax.f32 v32, v37;
	v1 =	vmax.f32 v1, v6  }
0x136: {  	v42 =	vmax.f32 v36, v41;
	v5 =	vmin.f32 v34, v36;
	v48 =	vmax.f32 v2, v46  }
0x137: {  	v2 =	vmin.f32 v40, v2;
	v6 =	vmax.f32 v39, v40;
	v5 =	vmax.f32 v3, v5  }
0x138: {  	v51 =	vld [tilespmem:s11+$0x3B80];
	v3 =	vmin.f32 v34, v3;
	v43 =	vmin.f32 v34, v0;
	v7 =	vmin.f32 v34, v38  }
0x139: {  	v2 =	vmax.f32 v42, v2;
	v4 =	vmin.f32 v40, v42;
	v52 =	vmax.f32 v6, v47  }
0x13a: {  	v6 =	vmin.f32 v47, v6;
	v53 =	vmin.f32 v47, v48;
	v0 =	vmax.f32 v0, v3  }
0x13b: {  	v44 =	vmax.f32 v38, v43;
	v1 =	vmax.f32 v1, v7;
	v7 =	vmax.f32 v8, v45  }
0x13c: {  	v49 =	vmin.f32 v40, v5;
	v4 =	vmax.f32 v5, v4;
	v54 =	vmax.f32 v2, v53  }
0x13d: {  	v2 =	vmin.f32 v47, v2;
	v55 =	vmax.f32 v52, v51;
	v50 =	vmax.f32 v0, v49  }
0x13e: {  	v0 =	vmin.f32 v40, v0;
	v3 =	vmin.f32 v40, v44;
	v6 =	vmax.f32 v7, v6  }
0x13f: {  	v7 =	vmin.f32 v47, v7;
	v2 =	vmax.f32 v4, v2;
	v4 =	vmin.f32 v47, v4  }
0x140: {  	v59 =	vmin.f32 v51, v54;
	v1 =	vmax.f32 v1, v3;
	v3 =	vmin.f32 v51, v52  }
0x141: {  	[tilespmem:s11+$0x4000] =	vst v55;
	v7 =	vmax.f32 v48, v7;
	v3 =	vmax.f32 v6, v3;
	v6 =	vmin.f32 v51, v6  }
0x142: {  	v0 =	vmax.f32 v44, v0;
	v58 =	vmin.f32 v51, v7;
	[tilespmem:s31+$0x4000] =	vst v3;
	v57 =	vmax.f32 v7, v6  }
0x143: {  	p0 =	sne.s32 s10, $0xF0;
	v56 =	vmax.f32 v50, v4;
	v5 =	vmin.f32 v47, v50;
	v6 =	vmax.f32 v54, v58;
	[tilespmem:s11+$0x4100] =	vst v57  }
.Ltmp0:
0x144: {  	v61 =	vmax.f32 v2, v59;
	v2 =	vmin.f32 v51, v2;
	v60 =	vmax.f32 v0, v5;
	[tilespmem:s12+$0x4000] =	vst v6;
	(pc) =	sbr.rel @p0 .LBB2_2-.Ltmp0, $4  }
0x145: {  	v0 =	vmin.f32 v47, v0;
	v2 =	vmax.f32 v56, v2;
	v3 =	vmin.f32 v51, v56;
	[tilespmem:s11+$0x4200] =	vst v61  }
0x146: {  	v0 =	vmax.f32 v1, v0;
	v63 =	vmin.f32 v51, v60;
	v62 =	vmax.f32 v60, v3;
	[tilespmem:s14+$0x4000] =	vst v2  }
0x147: {  	v0 =	vmax.f32 v0, v63;
	[tilespmem:s11+$0x4300] =	vst v62  }
0x148: {  	s9 =	sadd.s32 $0x80, s9;
	s10 =	sadd.s32 $0x10, s10;
	[tilespmem:s15+$0x4000] =	vst v0  }
0x149: {  	s8 =	sadd.s32 $0x1, s8  }
0x14a: {  	p0 =	sne.s32 s8, s5  }
.Ltmp1:
0x14b: {  	_ = 	snop;
	(pc) =	sbr.rel @p0 .LBB2_1-.Ltmp1, $4  }
0x14c: {  	[hbm4b:s4+s2] =	stream.linear.scatter [tilespmem:s7], [sflag:$0x1], $0x800, $0x38;
	[tilespmem:$0x4800] =	vst v63  }
0x14d: {  	_ =	swait.ge [sflag:s6], $0x800  }
0x14e: {  	[sflag:s6] =	ssyncset.done $0x0  }
0x14f: {  	[sflag:s6] =	ssyncadd.s32 $0xFFFFF800  }
0x150: {  	_ =	sfence.sel $0x180000  }
0x151: {  	[bflag:$0x0] =	sbarrier.arrive $0xFFFF  }
0x152: {  	p0 =	sne.s32 s1, $0x0;
	_ =	strace $0x90000047  }
0x153: {  	s0 =	sadd.s32 @!p0 $0x100000, s0;
	[bflag:$0x2] =	sbarrier.arrive $0xFFFF  }
0x154: {  	[sflag:s0] =	ssyncadd.tile.s32 @!p0 $0x1;
	_ =	shalt  }
.Lfunc_end2:
_tile_overlayer_lowered:
.L_overlay_start_2:
0x155: {  	(tag) =	ssettag $0x2  }
0x156: {  	s0 =	rddreg [dreg:$0x0];
	s2 =	stileid.u32  }
0x157: {  	s1 =	rddreg [dreg:$0x1];
	p0 =	sne.s32 s2, $0x0  }
0x158: {  	s3 =	rddreg [dreg:$0x2];
	[bflag:$0x3] =	sbarrier.arrive $0xFFFF;
	s2 =	simm.s32 @!p0 $0x1C01  }
0x159: {  	[timem:s3], [sflag:s2] =	dma.local @!p0 [hbm:s0], s1  }
0x15a: {  	s0 =	simm.s32 @!p0 $0x1  }
0x15b: {  	_ =	swait.ge @!p0 [sflag:s0], s1  }
0x15c: {  	s1 =	ssub.s32 @!p0 $0x0, s1;
	[sflag:s0] =	ssyncset.done @!p0 $0x0  }
0x15d: {  	[sflag:s0] =	ssyncadd.s32 @!p0 s1  }
0x15e: {  	[bflag:$0x3] =	sbarrier.arrive $0xFFFF  }
0x15f: {  	_ =	shalt  }

</sc_bundles>
